<compile_context>
chip_gen: v7x
topology: tpu7x:2x2x1
jax: 0.10.2.dev20260603
libtpu: 0.0.44.dev20260713+nightly
codegen_flags: <defaults>
</compile_context>

<pallas_src>
import jax
import jax.numpy as jnp
from jax import lax
from jax.experimental import pallas as pl
from jax.experimental.pallas import tpu as pltpu
from jax.experimental.pallas import tpu_sc as plsc

VOCAB = 1000000
EMBED = 32
BATCH = 16384
NEG = 20

NUM_CORES = 2
NUM_SUBCORES = 16
NW = NUM_CORES * NUM_SUBCORES
BPW = BATCH // NW
BC = 16
NBLK = BPW // BC
NROWS_BLK = BC * NEG
NEG_CHUNKS = ((0, 128), (128, 128), (256, 64))

S = 250880
GW = 5120
SBG = S // GW
CLAMP_J = (VOCAB + GW - 1) // GW - 1


def _pack_body(w0, w1, w2, w3, u0, u1, u2, u3, ow, ou):
    ow[...] = jnp.concatenate(
        [w0[...], w1[...], w2[...], w3[...]], axis=0).T
    ou[...] = jnp.concatenate(
        [u0[...], u1[...], u2[...], u3[...]], axis=0).T


def _pack_tables(W_w, W_u):
    wt = W_w.T
    ut = W_u.T

    def in_spec(q):
        return pl.BlockSpec(
            (EMBED, GW),
            lambda i, q=q: (0, jnp.minimum(q * SBG + i, CLAMP_J)))

    out_spec = pl.BlockSpec((GW, 128), lambda i: (i, 0))
    return pl.pallas_call(
        _pack_body,
        grid=(SBG,),
        in_specs=[in_spec(q) for q in range(4)] * 2,
        out_specs=[out_spec, out_spec],
        out_shape=[jax.ShapeDtypeStruct((S, 128), jnp.float32)] * 2,
    )(wt, wt, wt, wt, ut, ut, ut, ut)


def _sc_body(wp_w, wp_u, isup_h, tsup_h, nsup_h, icb_h, tcb_h, ncb_h,
             pos_h, negl_h,
             isup_v, tsup_v, nsup_v, icb_v, tcb_v, ncb_v,
             emb0, ctx0, nrow0, emb1, ctx1, nrow1, pos_v, negl_v, sem):
    cid = lax.axis_index("c")
    sid = lax.axis_index("s")
    wid = sid * NUM_CORES + cid

    pltpu.sync_copy(isup_h.at[wid], isup_v)
    pltpu.sync_copy(tsup_h.at[wid], tsup_v)
    pltpu.sync_copy(nsup_h.at[wid], nsup_v)
    pltpu.sync_copy(icb_h.at[wid], icb_v)
    pltpu.sync_copy(tcb_h.at[wid], tcb_v)
    pltpu.sync_copy(ncb_h.at[wid], ncb_v)

    iota = lax.iota(jnp.int32, 16)
    nrows0 = iota * NEG
    bufs = ((emb0, ctx0, nrow0), (emb1, ctx1, nrow1))

    def issue(g, emb_b, ctx_b, nrow_b):
        pltpu.async_copy(wp_w.at[isup_v.at[pl.ds(g * BC, BC)]], emb_b, sem)
        pltpu.async_copy(wp_u.at[tsup_v.at[pl.ds(g * BC, BC)]], ctx_b, sem)
        for off, ln in NEG_CHUNKS:
            pltpu.async_copy(
                wp_u.at[nsup_v.at[pl.ds(g * NROWS_BLK + off, ln)]],
                nrow_b.at[pl.ds(off, ln)], sem)

    def drain(emb_b, ctx_b, nrow_b):
        pltpu.make_async_copy(wp_w.at[pl.ds(0, BC)], emb_b, sem).wait()
        pltpu.make_async_copy(wp_u.at[pl.ds(0, BC)], ctx_b, sem).wait()
        for off, ln in NEG_CHUNKS:
            pltpu.make_async_copy(wp_u.at[pl.ds(0, ln)],
                                  nrow_b.at[pl.ds(off, ln)],
                                  sem).wait()

    def compute(blk, emb_b, ctx_b, nrow_b):
        cb_e = icb_v[pl.ds(blk * BC, 16)]
        cb_c = tcb_v[pl.ds(blk * BC, 16)]
        nbase = (blk * BC + iota) * NEG
        zero = jnp.zeros((16,), jnp.float32)

        @pl.loop(0, EMBED, init_carry=(zero, zero))
        def _dim(d, carry):
            acc_p, acc_n = carry
            e = plsc.load_gather(emb_b, [iota, cb_e + d])
            c = plsc.load_gather(ctx_b, [iota, cb_c + d])
            s = jnp.zeros((16,), jnp.float32)
            for k in range(NEG):
                cb_nk = plsc.load_gather(ncb_v, [nbase + k])
                s = s + plsc.load_gather(nrow_b, [nrows0 + k, cb_nk + d])
            return acc_p + e * c, acc_n + e * s

        acc_p, acc_n = _dim
        pos_v[pl.ds(blk * BC, 16)] = acc_p
        negl_v[pl.ds(blk * BC, 16)] = -acc_n

    issue(0, *bufs[0])

    @pl.loop(0, NBLK, step=2)
    def _pair(blk):
        for b in (0, 1):
            g = blk + b

            @pl.when(g + 1 < NBLK)
            def _():
                issue(g + 1, *bufs[1 - b])

            drain(*bufs[b])
            compute(g, *bufs[b])

    pltpu.sync_copy(pos_v, pos_h.at[wid])
    pltpu.sync_copy(negl_v, negl_h.at[wid])


def _make_sc_kernel():
    mesh = plsc.VectorSubcoreMesh(core_axis_name="c", subcore_axis_name="s")
    return pl.kernel(
        _sc_body,
        out_type=(
            jax.ShapeDtypeStruct((NW, BPW), jnp.float32),
            jax.ShapeDtypeStruct((NW, BPW), jnp.float32),
        ),
        mesh=mesh,
        scratch_types=(
            pltpu.VMEM((BPW,), jnp.int32),
            pltpu.VMEM((BPW,), jnp.int32),
            pltpu.VMEM((BPW * NEG,), jnp.int32),
            pltpu.VMEM((BPW,), jnp.int32),
            pltpu.VMEM((BPW,), jnp.int32),
            pltpu.VMEM((BPW * NEG,), jnp.int32),
            pltpu.VMEM((BC, 128), jnp.float32),
            pltpu.VMEM((BC, 128), jnp.float32),
            pltpu.VMEM((NROWS_BLK, 128), jnp.float32),
            pltpu.VMEM((BC, 128), jnp.float32),
            pltpu.VMEM((BC, 128), jnp.float32),
            pltpu.VMEM((NROWS_BLK, 128), jnp.float32),
            pltpu.VMEM((BPW,), jnp.float32),
            pltpu.VMEM((BPW,), jnp.float32),
            pltpu.SemaphoreType.DMA,
        ),
        compiler_params=pltpu.CompilerParams(needs_layout_passes=False),
    )


def _loss_body(pos_ref, negl_ref, out_ref):
    def logsig(x):
        return jnp.minimum(x, 0.0) - jnp.log1p(jnp.exp(-jnp.abs(x)))

    total = jnp.sum(logsig(pos_ref[...])) + jnp.sum(logsig(negl_ref[...]))
    out_ref[0, 0] = -total / BATCH


def _split_idx(v):
    q = v // S
    return (v - q * S).astype(jnp.int32), (q * 32).astype(jnp.int32)


@jax.jit
def kernel(inputs, targets, neg_samples, W_w, W_u):
    wp_w, wp_u = _pack_tables(W_w, W_u)

    isup, icb = _split_idx(inputs.astype(jnp.int32).reshape(BATCH))
    tsup, tcb = _split_idx(targets.astype(jnp.int32).reshape(BATCH))
    nsup, ncb = _split_idx(neg_samples.astype(jnp.int32))

    isup_h = isup.reshape(NW, BPW)
    tsup_h = tsup.reshape(NW, BPW)
    nsup_h = nsup.reshape(NW, BPW * NEG)
    icb_h = icb.reshape(NW, BPW)
    tcb_h = tcb.reshape(NW, BPW)
    ncb_h = ncb.reshape(NW, BPW * NEG)

    pos, negl = _make_sc_kernel()(
        wp_w, wp_u, isup_h, tsup_h, nsup_h, icb_h, tcb_h, ncb_h)

    loss = pl.pallas_call(
        _loss_body,
        out_shape=jax.ShapeDtypeStruct((1, 1), jnp.float32),
        out_specs=pl.BlockSpec(memory_space=pltpu.SMEM),
    )(pos.reshape(128, 128), negl.reshape(128, 128))
    return loss[0, 0]

# --- scband reference (transcript-rebuilt; emitter-appended) ---
"""Pipeline reference for scband-word2-vec-10273561772419 (READ-ONLY COPY).

The authoritative reference and input builder live on the scoring server;
editing this copy changes nothing except your own understanding.
"""

import jax, jax.numpy as jnp
import numpy as np

VOCAB = 1000000
EMBED = 32
BATCH = 16384
NEG = 20


def setup_inputs(seed: int = 0) -> dict:
    key = jax.random.key(seed)
    k1, k2, k3, k4, k5 = jax.random.split(key, 5)
    inputs = jax.random.randint(k1, (BATCH, 1), 0, VOCAB, dtype=jnp.int64 if jax.config.jax_enable_x64 else jnp.int32)
    targets = jax.random.randint(k2, (BATCH, 1), 0, VOCAB, dtype=jnp.int64 if jax.config.jax_enable_x64 else jnp.int32)
    neg_samples = jax.random.randint(k3, (BATCH, NEG), 0, VOCAB, dtype=jnp.int64 if jax.config.jax_enable_x64 else jnp.int32)
    init = (2.0 / (VOCAB + EMBED)) ** 0.5
    W_w = jax.random.uniform(k4, (VOCAB, EMBED), minval=-init, maxval=init, dtype=jnp.float32)
    # torch init sets embedding_u to zeros (uniform_(-0.0, 0.0)); we use a small
    # uniform instead so the computation (and gradients) are non-degenerate.
    W_u = jax.random.uniform(k5, (VOCAB, EMBED), minval=-init, maxval=init, dtype=jnp.float32)
    return {"inputs": inputs, "targets": targets, "neg_samples": neg_samples, "W_w": W_w, "W_u": W_u}


def reference(inputs, targets, neg_samples, W_w, W_u):
    embed = jnp.take(W_w, inputs, axis=0)        # [B, 1, D]
    context = jnp.take(W_u, targets, axis=0)     # [B, 1, D]
    negs = -jnp.take(W_u, neg_samples, axis=0)   # [B, K, D]
    # pos = context.bmm(embed.transpose(1,2)).squeeze(2) -> [B, 1]
    pos = jnp.einsum('bid,bjd->bij', context, embed)[:, :, 0]
    # neg = negs.bmm(embed.transpose(1,2)).sum(1) -> [B, 1]
    neg = jnp.einsum('bkd,bjd->bkj', negs, embed).sum(axis=1)
    nll = jax.nn.log_sigmoid(pos) + jax.nn.log_sigmoid(neg)
    return -jnp.mean(nll)

if __name__ == "__main__":
    import jax
    _d = setup_inputs()
    print(jax.jit(kernel)(*tuple(_d.values())))

</pallas_src>

<mosaic_0001>
#map = affine_map<(d0, d1) -> (0, 0)>
module attributes {stable_mosaic.version = 14 : i64} {
  func.func @_sc_body(%arg0: i32, %arg1: i32, %arg2: memref<250880x128xf32, #tpu.memory_space<hbm>>, %arg3: memref<250880x128xf32, #tpu.memory_space<hbm>>, %arg4: memref<32x512xi32, #tpu.memory_space<hbm>>, %arg5: memref<32x512xi32, #tpu.memory_space<hbm>>, %arg6: memref<32x10240xi32, #tpu.memory_space<hbm>>, %arg7: memref<32x512xi32, #tpu.memory_space<hbm>>, %arg8: memref<32x512xi32, #tpu.memory_space<hbm>>, %arg9: memref<32x10240xi32, #tpu.memory_space<hbm>>, %arg10: memref<32x512xf32, #tpu.memory_space<hbm>>, %arg11: memref<32x512xf32, #tpu.memory_space<hbm>>, %arg12: memref<512xi32, #tpu.memory_space<vmem>>, %arg13: memref<512xi32, #tpu.memory_space<vmem>>, %arg14: memref<10240xi32, #tpu.memory_space<vmem>>, %arg15: memref<512xi32, #tpu.memory_space<vmem>>, %arg16: memref<512xi32, #tpu.memory_space<vmem>>, %arg17: memref<10240xi32, #tpu.memory_space<vmem>>, %arg18: memref<16x128xf32, #tpu.memory_space<vmem>>, %arg19: memref<16x128xf32, #tpu.memory_space<vmem>>, %arg20: memref<320x128xf32, #tpu.memory_space<vmem>>, %arg21: memref<16x128xf32, #tpu.memory_space<vmem>>, %arg22: memref<16x128xf32, #tpu.memory_space<vmem>>, %arg23: memref<320x128xf32, #tpu.memory_space<vmem>>, %arg24: memref<512xf32, #tpu.memory_space<vmem>>, %arg25: memref<512xf32, #tpu.memory_space<vmem>>, %arg26: memref<!tpu.dma_semaphore, #tpu.memory_space<semaphore_mem>>) attributes {dimension_semantics = [#tpu.dimension_semantics<core_parallel>, #tpu.dimension_semantics<subcore_parallel>], iteration_bounds = array<i64: 2, 16>, scalar_prefetch = 0 : i64, scratch_operands = 15 : i64, tpu.core_type = #tpu.core_type<sc_vector_subcore>, window_params = [{transform_indices = #map}, {transform_indices = #map}, {transform_indices = #map}, {transform_indices = #map}, {transform_indices = #map}, {transform_indices = #map}, {transform_indices = #map}, {transform_indices = #map}, {transform_indices = #map}, {transform_indices = #map}]} {
    %mul3A = arith.constant 2 : i32
    %mul3A_0 = arith.muli %arg1, %mul3A : i32
    %add3A = arith.addi %mul3A_0, %arg0 : i32
    "tpu.region"() ({
      %run_scoped3A = tpu.sem_alloc : memref<!tpu.dma_semaphore, #tpu.memory_space<semaphore_mem>>
      %dma_start3A_41 = arith.constant 0 : i32
      %dma_start3A_42 = tpu.memref_slice %arg4[%add3A, %dma_start3A_41] : memref<32x512xi32, #tpu.memory_space<hbm>> -> memref<1x512xi32, #tpu.memory_space<hbm>>
      %dma_start3A_43 = tpu.memref_squeeze %dma_start3A_42 : memref<1x512xi32, #tpu.memory_space<hbm>> -> memref<512xi32, #tpu.memory_space<hbm>>
      %dma_start3A_44 = arith.constant 0 : i32
      %dma_start3A_45 = tpu.memref_slice %arg4[%add3A, %dma_start3A_44] : memref<32x512xi32, #tpu.memory_space<hbm>> -> memref<1x512xi32, #tpu.memory_space<hbm>>
      %dma_start3A_46 = tpu.memref_squeeze %dma_start3A_45 : memref<1x512xi32, #tpu.memory_space<hbm>> -> memref<512xi32, #tpu.memory_space<hbm>>
      tpu.enqueue_dma source(%dma_start3A_46 : memref<512xi32, #tpu.memory_space<hbm>>) target(%arg12 : memref<512xi32, #tpu.memory_space<vmem>>) target_semaphore(%run_scoped3A : memref<!tpu.dma_semaphore, #tpu.memory_space<semaphore_mem>>)
      %dma_wait3A = arith.constant 0 : i32
      %dma_wait3A_47 = tpu.memref_slice %arg4[%add3A, %dma_wait3A] : memref<32x512xi32, #tpu.memory_space<hbm>> -> memref<1x512xi32, #tpu.memory_space<hbm>>
      %dma_wait3A_48 = tpu.memref_squeeze %dma_wait3A_47 : memref<1x512xi32, #tpu.memory_space<hbm>> -> memref<512xi32, #tpu.memory_space<hbm>>
      %dma_wait3A_49 = arith.constant 0 : i32
      %dma_wait3A_50 = tpu.memref_slice %arg4[%add3A, %dma_wait3A_49] : memref<32x512xi32, #tpu.memory_space<hbm>> -> memref<1x512xi32, #tpu.memory_space<hbm>>
      %dma_wait3A_51 = tpu.memref_squeeze %dma_wait3A_50 : memref<1x512xi32, #tpu.memory_space<hbm>> -> memref<512xi32, #tpu.memory_space<hbm>>
      tpu.wait_dma2 semaphore(%run_scoped3A : memref<!tpu.dma_semaphore, #tpu.memory_space<semaphore_mem>>) src(%dma_wait3A_51 : memref<512xi32, #tpu.memory_space<hbm>>) dst(%arg12 : memref<512xi32, #tpu.memory_space<vmem>>)
      tpu.yield
    }) : () -> ()
    "tpu.region"() ({
      %run_scoped3A = tpu.sem_alloc : memref<!tpu.dma_semaphore, #tpu.memory_space<semaphore_mem>>
      %dma_start3A_41 = arith.constant 0 : i32
      %dma_start3A_42 = tpu.memref_slice %arg5[%add3A, %dma_start3A_41] : memref<32x512xi32, #tpu.memory_space<hbm>> -> memref<1x512xi32, #tpu.memory_space<hbm>>
      %dma_start3A_43 = tpu.memref_squeeze %dma_start3A_42 : memref<1x512xi32, #tpu.memory_space<hbm>> -> memref<512xi32, #tpu.memory_space<hbm>>
      %dma_start3A_44 = arith.constant 0 : i32
      %dma_start3A_45 = tpu.memref_slice %arg5[%add3A, %dma_start3A_44] : memref<32x512xi32, #tpu.memory_space<hbm>> -> memref<1x512xi32, #tpu.memory_space<hbm>>
      %dma_start3A_46 = tpu.memref_squeeze %dma_start3A_45 : memref<1x512xi32, #tpu.memory_space<hbm>> -> memref<512xi32, #tpu.memory_space<hbm>>
      tpu.enqueue_dma source(%dma_start3A_46 : memref<512xi32, #tpu.memory_space<hbm>>) target(%arg13 : memref<512xi32, #tpu.memory_space<vmem>>) target_semaphore(%run_scoped3A : memref<!tpu.dma_semaphore, #tpu.memory_space<semaphore_mem>>)
      %dma_wait3A = arith.constant 0 : i32
      %dma_wait3A_47 = tpu.memref_slice %arg5[%add3A, %dma_wait3A] : memref<32x512xi32, #tpu.memory_space<hbm>> -> memref<1x512xi32, #tpu.memory_space<hbm>>
      %dma_wait3A_48 = tpu.memref_squeeze %dma_wait3A_47 : memref<1x512xi32, #tpu.memory_space<hbm>> -> memref<512xi32, #tpu.memory_space<hbm>>
      %dma_wait3A_49 = arith.constant 0 : i32
      %dma_wait3A_50 = tpu.memref_slice %arg5[%add3A, %dma_wait3A_49] : memref<32x512xi32, #tpu.memory_space<hbm>> -> memref<1x512xi32, #tpu.memory_space<hbm>>
      %dma_wait3A_51 = tpu.memref_squeeze %dma_wait3A_50 : memref<1x512xi32, #tpu.memory_space<hbm>> -> memref<512xi32, #tpu.memory_space<hbm>>
      tpu.wait_dma2 semaphore(%run_scoped3A : memref<!tpu.dma_semaphore, #tpu.memory_space<semaphore_mem>>) src(%dma_wait3A_51 : memref<512xi32, #tpu.memory_space<hbm>>) dst(%arg13 : memref<512xi32, #tpu.memory_space<vmem>>)
      tpu.yield
    }) : () -> ()
    "tpu.region"() ({
      %run_scoped3A = tpu.sem_alloc : memref<!tpu.dma_semaphore, #tpu.memory_space<semaphore_mem>>
      %dma_start3A_41 = arith.constant 0 : i32
      %dma_start3A_42 = tpu.memref_slice %arg6[%add3A, %dma_start3A_41] : memref<32x10240xi32, #tpu.memory_space<hbm>> -> memref<1x10240xi32, #tpu.memory_space<hbm>>
      %dma_start3A_43 = tpu.memref_squeeze %dma_start3A_42 : memref<1x10240xi32, #tpu.memory_space<hbm>> -> memref<10240xi32, #tpu.memory_space<hbm>>
      %dma_start3A_44 = arith.constant 0 : i32
      %dma_start3A_45 = tpu.memref_slice %arg6[%add3A, %dma_start3A_44] : memref<32x10240xi32, #tpu.memory_space<hbm>> -> memref<1x10240xi32, #tpu.memory_space<hbm>>
      %dma_start3A_46 = tpu.memref_squeeze %dma_start3A_45 : memref<1x10240xi32, #tpu.memory_space<hbm>> -> memref<10240xi32, #tpu.memory_space<hbm>>
      tpu.enqueue_dma source(%dma_start3A_46 : memref<10240xi32, #tpu.memory_space<hbm>>) target(%arg14 : memref<10240xi32, #tpu.memory_space<vmem>>) target_semaphore(%run_scoped3A : memref<!tpu.dma_semaphore, #tpu.memory_space<semaphore_mem>>)
      %dma_wait3A = arith.constant 0 : i32
      %dma_wait3A_47 = tpu.memref_slice %arg6[%add3A, %dma_wait3A] : memref<32x10240xi32, #tpu.memory_space<hbm>> -> memref<1x10240xi32, #tpu.memory_space<hbm>>
      %dma_wait3A_48 = tpu.memref_squeeze %dma_wait3A_47 : memref<1x10240xi32, #tpu.memory_space<hbm>> -> memref<10240xi32, #tpu.memory_space<hbm>>
      %dma_wait3A_49 = arith.constant 0 : i32
      %dma_wait3A_50 = tpu.memref_slice %arg6[%add3A, %dma_wait3A_49] : memref<32x10240xi32, #tpu.memory_space<hbm>> -> memref<1x10240xi32, #tpu.memory_space<hbm>>
      %dma_wait3A_51 = tpu.memref_squeeze %dma_wait3A_50 : memref<1x10240xi32, #tpu.memory_space<hbm>> -> memref<10240xi32, #tpu.memory_space<hbm>>
      tpu.wait_dma2 semaphore(%run_scoped3A : memref<!tpu.dma_semaphore, #tpu.memory_space<semaphore_mem>>) src(%dma_wait3A_51 : memref<10240xi32, #tpu.memory_space<hbm>>) dst(%arg14 : memref<10240xi32, #tpu.memory_space<vmem>>)
      tpu.yield
    }) : () -> ()
    "tpu.region"() ({
      %run_scoped3A = tpu.sem_alloc : memref<!tpu.dma_semaphore, #tpu.memory_space<semaphore_mem>>
      %dma_start3A_41 = arith.constant 0 : i32
      %dma_start3A_42 = tpu.memref_slice %arg7[%add3A, %dma_start3A_41] : memref<32x512xi32, #tpu.memory_space<hbm>> -> memref<1x512xi32, #tpu.memory_space<hbm>>
      %dma_start3A_43 = tpu.memref_squeeze %dma_start3A_42 : memref<1x512xi32, #tpu.memory_space<hbm>> -> memref<512xi32, #tpu.memory_space<hbm>>
      %dma_start3A_44 = arith.constant 0 : i32
      %dma_start3A_45 = tpu.memref_slice %arg7[%add3A, %dma_start3A_44] : memref<32x512xi32, #tpu.memory_space<hbm>> -> memref<1x512xi32, #tpu.memory_space<hbm>>
      %dma_start3A_46 = tpu.memref_squeeze %dma_start3A_45 : memref<1x512xi32, #tpu.memory_space<hbm>> -> memref<512xi32, #tpu.memory_space<hbm>>
      tpu.enqueue_dma source(%dma_start3A_46 : memref<512xi32, #tpu.memory_space<hbm>>) target(%arg15 : memref<512xi32, #tpu.memory_space<vmem>>) target_semaphore(%run_scoped3A : memref<!tpu.dma_semaphore, #tpu.memory_space<semaphore_mem>>)
      %dma_wait3A = arith.constant 0 : i32
      %dma_wait3A_47 = tpu.memref_slice %arg7[%add3A, %dma_wait3A] : memref<32x512xi32, #tpu.memory_space<hbm>> -> memref<1x512xi32, #tpu.memory_space<hbm>>
      %dma_wait3A_48 = tpu.memref_squeeze %dma_wait3A_47 : memref<1x512xi32, #tpu.memory_space<hbm>> -> memref<512xi32, #tpu.memory_space<hbm>>
      %dma_wait3A_49 = arith.constant 0 : i32
      %dma_wait3A_50 = tpu.memref_slice %arg7[%add3A, %dma_wait3A_49] : memref<32x512xi32, #tpu.memory_space<hbm>> -> memref<1x512xi32, #tpu.memory_space<hbm>>
      %dma_wait3A_51 = tpu.memref_squeeze %dma_wait3A_50 : memref<1x512xi32, #tpu.memory_space<hbm>> -> memref<512xi32, #tpu.memory_space<hbm>>
      tpu.wait_dma2 semaphore(%run_scoped3A : memref<!tpu.dma_semaphore, #tpu.memory_space<semaphore_mem>>) src(%dma_wait3A_51 : memref<512xi32, #tpu.memory_space<hbm>>) dst(%arg15 : memref<512xi32, #tpu.memory_space<vmem>>)
      tpu.yield
    }) : () -> ()
    "tpu.region"() ({
      %run_scoped3A = tpu.sem_alloc : memref<!tpu.dma_semaphore, #tpu.memory_space<semaphore_mem>>
      %dma_start3A_41 = arith.constant 0 : i32
      %dma_start3A_42 = tpu.memref_slice %arg8[%add3A, %dma_start3A_41] : memref<32x512xi32, #tpu.memory_space<hbm>> -> memref<1x512xi32, #tpu.memory_space<hbm>>
      %dma_start3A_43 = tpu.memref_squeeze %dma_start3A_42 : memref<1x512xi32, #tpu.memory_space<hbm>> -> memref<512xi32, #tpu.memory_space<hbm>>
      %dma_start3A_44 = arith.constant 0 : i32
      %dma_start3A_45 = tpu.memref_slice %arg8[%add3A, %dma_start3A_44] : memref<32x512xi32, #tpu.memory_space<hbm>> -> memref<1x512xi32, #tpu.memory_space<hbm>>
      %dma_start3A_46 = tpu.memref_squeeze %dma_start3A_45 : memref<1x512xi32, #tpu.memory_space<hbm>> -> memref<512xi32, #tpu.memory_space<hbm>>
      tpu.enqueue_dma source(%dma_start3A_46 : memref<512xi32, #tpu.memory_space<hbm>>) target(%arg16 : memref<512xi32, #tpu.memory_space<vmem>>) target_semaphore(%run_scoped3A : memref<!tpu.dma_semaphore, #tpu.memory_space<semaphore_mem>>)
      %dma_wait3A = arith.constant 0 : i32
      %dma_wait3A_47 = tpu.memref_slice %arg8[%add3A, %dma_wait3A] : memref<32x512xi32, #tpu.memory_space<hbm>> -> memref<1x512xi32, #tpu.memory_space<hbm>>
      %dma_wait3A_48 = tpu.memref_squeeze %dma_wait3A_47 : memref<1x512xi32, #tpu.memory_space<hbm>> -> memref<512xi32, #tpu.memory_space<hbm>>
      %dma_wait3A_49 = arith.constant 0 : i32
      %dma_wait3A_50 = tpu.memref_slice %arg8[%add3A, %dma_wait3A_49] : memref<32x512xi32, #tpu.memory_space<hbm>> -> memref<1x512xi32, #tpu.memory_space<hbm>>
      %dma_wait3A_51 = tpu.memref_squeeze %dma_wait3A_50 : memref<1x512xi32, #tpu.memory_space<hbm>> -> memref<512xi32, #tpu.memory_space<hbm>>
      tpu.wait_dma2 semaphore(%run_scoped3A : memref<!tpu.dma_semaphore, #tpu.memory_space<semaphore_mem>>) src(%dma_wait3A_51 : memref<512xi32, #tpu.memory_space<hbm>>) dst(%arg16 : memref<512xi32, #tpu.memory_space<vmem>>)
      tpu.yield
    }) : () -> ()
    "tpu.region"() ({
      %run_scoped3A = tpu.sem_alloc : memref<!tpu.dma_semaphore, #tpu.memory_space<semaphore_mem>>
      %dma_start3A_41 = arith.constant 0 : i32
      %dma_start3A_42 = tpu.memref_slice %arg9[%add3A, %dma_start3A_41] : memref<32x10240xi32, #tpu.memory_space<hbm>> -> memref<1x10240xi32, #tpu.memory_space<hbm>>
      %dma_start3A_43 = tpu.memref_squeeze %dma_start3A_42 : memref<1x10240xi32, #tpu.memory_space<hbm>> -> memref<10240xi32, #tpu.memory_space<hbm>>
      %dma_start3A_44 = arith.constant 0 : i32
      %dma_start3A_45 = tpu.memref_slice %arg9[%add3A, %dma_start3A_44] : memref<32x10240xi32, #tpu.memory_space<hbm>> -> memref<1x10240xi32, #tpu.memory_space<hbm>>
      %dma_start3A_46 = tpu.memref_squeeze %dma_start3A_45 : memref<1x10240xi32, #tpu.memory_space<hbm>> -> memref<10240xi32, #tpu.memory_space<hbm>>
      tpu.enqueue_dma source(%dma_start3A_46 : memref<10240xi32, #tpu.memory_space<hbm>>) target(%arg17 : memref<10240xi32, #tpu.memory_space<vmem>>) target_semaphore(%run_scoped3A : memref<!tpu.dma_semaphore, #tpu.memory_space<semaphore_mem>>)
      %dma_wait3A = arith.constant 0 : i32
      %dma_wait3A_47 = tpu.memref_slice %arg9[%add3A, %dma_wait3A] : memref<32x10240xi32, #tpu.memory_space<hbm>> -> memref<1x10240xi32, #tpu.memory_space<hbm>>
      %dma_wait3A_48 = tpu.memref_squeeze %dma_wait3A_47 : memref<1x10240xi32, #tpu.memory_space<hbm>> -> memref<10240xi32, #tpu.memory_space<hbm>>
      %dma_wait3A_49 = arith.constant 0 : i32
      %dma_wait3A_50 = tpu.memref_slice %arg9[%add3A, %dma_wait3A_49] : memref<32x10240xi32, #tpu.memory_space<hbm>> -> memref<1x10240xi32, #tpu.memory_space<hbm>>
      %dma_wait3A_51 = tpu.memref_squeeze %dma_wait3A_50 : memref<1x10240xi32, #tpu.memory_space<hbm>> -> memref<10240xi32, #tpu.memory_space<hbm>>
      tpu.wait_dma2 semaphore(%run_scoped3A : memref<!tpu.dma_semaphore, #tpu.memory_space<semaphore_mem>>) src(%dma_wait3A_51 : memref<10240xi32, #tpu.memory_space<hbm>>) dst(%arg17 : memref<10240xi32, #tpu.memory_space<vmem>>)
      tpu.yield
    }) : () -> ()
    %iota3A = tpu.iota {dimensions = array<i32: 0>} : vector<16xi32>
    %mul3A_1 = arith.constant 20 : i32
    %mul3A_2 = vector.broadcast %mul3A_1 : i32 to vector<16xi32>
    %mul3A_3 = arith.muli %iota3A, %mul3A_2 : vector<16xi32>
    %dma_start3A = arith.constant 0 : i32
    %dma_start3A_4 = tpu.memref_slice %arg12[%dma_start3A] : memref<512xi32, #tpu.memory_space<vmem>> -> memref<16xi32, #tpu.memory_space<vmem>>
    %dma_start3A_5 = arith.constant 0 : i32
    %dma_start3A_6 = arith.constant 0 : i32
    %dma_start3A_7 = tpu.memref_slice %arg2[%dma_start3A_5, %dma_start3A_6] : memref<250880x128xf32, #tpu.memory_space<hbm>> -> memref<250880x128xf32, #tpu.memory_space<hbm>>
    tpu.enqueue_indirect_dma source(%dma_start3A_7 : memref<250880x128xf32, #tpu.memory_space<hbm>>) target(%arg18 : memref<16x128xf32, #tpu.memory_space<vmem>>) offsets(%dma_start3A_4 : memref<16xi32, #tpu.memory_space<vmem>>) semaphore(%arg26 : memref<!tpu.dma_semaphore, #tpu.memory_space<semaphore_mem>>)
    %dma_start3A_8 = arith.constant 0 : i32
    %dma_start3A_9 = tpu.memref_slice %arg13[%dma_start3A_8] : memref<512xi32, #tpu.memory_space<vmem>> -> memref<16xi32, #tpu.memory_space<vmem>>
    %dma_start3A_10 = arith.constant 0 : i32
    %dma_start3A_11 = arith.constant 0 : i32
    %dma_start3A_12 = tpu.memref_slice %arg3[%dma_start3A_10, %dma_start3A_11] : memref<250880x128xf32, #tpu.memory_space<hbm>> -> memref<250880x128xf32, #tpu.memory_space<hbm>>
    tpu.enqueue_indirect_dma source(%dma_start3A_12 : memref<250880x128xf32, #tpu.memory_space<hbm>>) target(%arg19 : memref<16x128xf32, #tpu.memory_space<vmem>>) offsets(%dma_start3A_9 : memref<16xi32, #tpu.memory_space<vmem>>) semaphore(%arg26 : memref<!tpu.dma_semaphore, #tpu.memory_space<semaphore_mem>>)
    %dma_start3A_13 = arith.constant 0 : i32
    %dma_start3A_14 = arith.constant 0 : i32
    %dma_start3A_15 = tpu.memref_slice %arg20[%dma_start3A_13, %dma_start3A_14] : memref<320x128xf32, #tpu.memory_space<vmem>> -> memref<128x128xf32, #tpu.memory_space<vmem>>
    %dma_start3A_16 = arith.constant 0 : i32
    %dma_start3A_17 = tpu.memref_slice %arg14[%dma_start3A_16] : memref<10240xi32, #tpu.memory_space<vmem>> -> memref<128xi32, #tpu.memory_space<vmem>>
    %dma_start3A_18 = arith.constant 0 : i32
    %dma_start3A_19 = arith.constant 0 : i32
    %dma_start3A_20 = tpu.memref_slice %arg3[%dma_start3A_18, %dma_start3A_19] : memref<250880x128xf32, #tpu.memory_space<hbm>> -> memref<250880x128xf32, #tpu.memory_space<hbm>>
    tpu.enqueue_indirect_dma source(%dma_start3A_20 : memref<250880x128xf32, #tpu.memory_space<hbm>>) target(%dma_start3A_15 : memref<128x128xf32, #tpu.memory_space<vmem>>) offsets(%dma_start3A_17 : memref<128xi32, #tpu.memory_space<vmem>>) semaphore(%arg26 : memref<!tpu.dma_semaphore, #tpu.memory_space<semaphore_mem>>)
    %dma_start3A_21 = arith.constant 128 : i32
    %dma_start3A_22 = arith.constant 0 : i32
    %dma_start3A_23 = tpu.memref_slice %arg20[%dma_start3A_21, %dma_start3A_22] : memref<320x128xf32, #tpu.memory_space<vmem>> -> memref<128x128xf32, #tpu.memory_space<vmem>>
    %dma_start3A_24 = arith.constant 128 : i32
    %dma_start3A_25 = tpu.memref_slice %arg14[%dma_start3A_24] : memref<10240xi32, #tpu.memory_space<vmem>> -> memref<128xi32, #tpu.memory_space<vmem>>
    %dma_start3A_26 = arith.constant 0 : i32
    %dma_start3A_27 = arith.constant 0 : i32
    %dma_start3A_28 = tpu.memref_slice %arg3[%dma_start3A_26, %dma_start3A_27] : memref<250880x128xf32, #tpu.memory_space<hbm>> -> memref<250880x128xf32, #tpu.memory_space<hbm>>
    tpu.enqueue_indirect_dma source(%dma_start3A_28 : memref<250880x128xf32, #tpu.memory_space<hbm>>) target(%dma_start3A_23 : memref<128x128xf32, #tpu.memory_space<vmem>>) offsets(%dma_start3A_25 : memref<128xi32, #tpu.memory_space<vmem>>) semaphore(%arg26 : memref<!tpu.dma_semaphore, #tpu.memory_space<semaphore_mem>>)
    %dma_start3A_29 = arith.constant 256 : i32
    %dma_start3A_30 = arith.constant 0 : i32
    %dma_start3A_31 = tpu.memref_slice %arg20[%dma_start3A_29, %dma_start3A_30] : memref<320x128xf32, #tpu.memory_space<vmem>> -> memref<64x128xf32, #tpu.memory_space<vmem>>
    %dma_start3A_32 = arith.constant 256 : i32
    %dma_start3A_33 = tpu.memref_slice %arg14[%dma_start3A_32] : memref<10240xi32, #tpu.memory_space<vmem>> -> memref<64xi32, #tpu.memory_space<vmem>>
    %dma_start3A_34 = arith.constant 0 : i32
    %dma_start3A_35 = arith.constant 0 : i32
    %dma_start3A_36 = tpu.memref_slice %arg3[%dma_start3A_34, %dma_start3A_35] : memref<250880x128xf32, #tpu.memory_space<hbm>> -> memref<250880x128xf32, #tpu.memory_space<hbm>>
    tpu.enqueue_indirect_dma source(%dma_start3A_36 : memref<250880x128xf32, #tpu.memory_space<hbm>>) target(%dma_start3A_31 : memref<64x128xf32, #tpu.memory_space<vmem>>) offsets(%dma_start3A_33 : memref<64xi32, #tpu.memory_space<vmem>>) semaphore(%arg26 : memref<!tpu.dma_semaphore, #tpu.memory_space<semaphore_mem>>)
    %scan3A = arith.constant 0 : i32
    %scan3A_37 = arith.constant 16 : i32
    %scan3A_38 = arith.addi %scan3A, %scan3A_37 : i32
    %scan3A_39 = arith.constant 1 : i32
    scf.for %scan3A_41 = %scan3A to %scan3A_38 step %scan3A_39  : i32 {
      %mul3A_42 = arith.constant 2 : i32
      %mul3A_43 = arith.muli %scan3A_41, %mul3A_42 : i32
      %add3A_44 = arith.constant 0 : i32
      %add3A_45 = arith.addi %add3A_44, %mul3A_43 : i32
      %add3A_46 = arith.constant 0 : i32
      %add3A_47 = arith.addi %add3A_45, %add3A_46 : i32
      %add3A_48 = arith.constant 1 : i32
      %add3A_49 = arith.addi %add3A_47, %add3A_48 : i32
      %lt3A = arith.constant 32 : i32
      %lt3A_50 = arith.cmpi slt, %add3A_49, %lt3A : i32
      %convert_element_type3A = arith.extui %lt3A_50 : i1 to i32
      %cond3A = arith.constant 0 : i32
      %cond3A_51 = arith.cmpi ne, %convert_element_type3A, %cond3A : i32
      scf.if %cond3A_51 {
        %add3A_220 = arith.constant 1 : i32
        %add3A_221 = arith.addi %add3A_47, %add3A_220 : i32
        %mul3A_222 = arith.constant 16 : i32
        %mul3A_223 = arith.muli %add3A_221, %mul3A_222 : i32
        %dma_start3A_224 = tpu.memref_slice %arg12[%mul3A_223] : memref<512xi32, #tpu.memory_space<vmem>> -> memref<16xi32, #tpu.memory_space<vmem>>
        %dma_start3A_225 = arith.constant 0 : i32
        %dma_start3A_226 = arith.constant 0 : i32
        %dma_start3A_227 = tpu.memref_slice %arg2[%dma_start3A_225, %dma_start3A_226] : memref<250880x128xf32, #tpu.memory_space<hbm>> -> memref<250880x128xf32, #tpu.memory_space<hbm>>
        tpu.enqueue_indirect_dma source(%dma_start3A_227 : memref<250880x128xf32, #tpu.memory_space<hbm>>) target(%arg21 : memref<16x128xf32, #tpu.memory_space<vmem>>) offsets(%dma_start3A_224 : memref<16xi32, #tpu.memory_space<vmem>>) semaphore(%arg26 : memref<!tpu.dma_semaphore, #tpu.memory_space<semaphore_mem>>)
        %mul3A_228 = arith.constant 16 : i32
        %mul3A_229 = arith.muli %add3A_221, %mul3A_228 : i32
        %dma_start3A_230 = tpu.memref_slice %arg13[%mul3A_229] : memref<512xi32, #tpu.memory_space<vmem>> -> memref<16xi32, #tpu.memory_space<vmem>>
        %dma_start3A_231 = arith.constant 0 : i32
        %dma_start3A_232 = arith.constant 0 : i32
        %dma_start3A_233 = tpu.memref_slice %arg3[%dma_start3A_231, %dma_start3A_232] : memref<250880x128xf32, #tpu.memory_space<hbm>> -> memref<250880x128xf32, #tpu.memory_space<hbm>>
        tpu.enqueue_indirect_dma source(%dma_start3A_233 : memref<250880x128xf32, #tpu.memory_space<hbm>>) target(%arg22 : memref<16x128xf32, #tpu.memory_space<vmem>>) offsets(%dma_start3A_230 : memref<16xi32, #tpu.memory_space<vmem>>) semaphore(%arg26 : memref<!tpu.dma_semaphore, #tpu.memory_space<semaphore_mem>>)
        %mul3A_234 = arith.constant 320 : i32
        %mul3A_235 = arith.muli %add3A_221, %mul3A_234 : i32
        %add3A_236 = arith.constant 0 : i32
        %add3A_237 = arith.addi %mul3A_235, %add3A_236 : i32
        %dma_start3A_238 = arith.constant 0 : i32
        %dma_start3A_239 = arith.constant 0 : i32
        %dma_start3A_240 = tpu.memref_slice %arg23[%dma_start3A_238, %dma_start3A_239] : memref<320x128xf32, #tpu.memory_space<vmem>> -> memref<128x128xf32, #tpu.memory_space<vmem>>
        %dma_start3A_241 = tpu.memref_slice %arg14[%add3A_237] : memref<10240xi32, #tpu.memory_space<vmem>> -> memref<128xi32, #tpu.memory_space<vmem>>
        %dma_start3A_242 = arith.constant 0 : i32
        %dma_start3A_243 = arith.constant 0 : i32
        %dma_start3A_244 = tpu.memref_slice %arg3[%dma_start3A_242, %dma_start3A_243] : memref<250880x128xf32, #tpu.memory_space<hbm>> -> memref<250880x128xf32, #tpu.memory_space<hbm>>
        tpu.enqueue_indirect_dma source(%dma_start3A_244 : memref<250880x128xf32, #tpu.memory_space<hbm>>) target(%dma_start3A_240 : memref<128x128xf32, #tpu.memory_space<vmem>>) offsets(%dma_start3A_241 : memref<128xi32, #tpu.memory_space<vmem>>) semaphore(%arg26 : memref<!tpu.dma_semaphore, #tpu.memory_space<semaphore_mem>>)
        %mul3A_245 = arith.constant 320 : i32
        %mul3A_246 = arith.muli %add3A_221, %mul3A_245 : i32
        %add3A_247 = arith.constant 128 : i32
        %add3A_248 = arith.addi %mul3A_246, %add3A_247 : i32
        %dma_start3A_249 = arith.constant 128 : i32
        %dma_start3A_250 = arith.constant 0 : i32
        %dma_start3A_251 = tpu.memref_slice %arg23[%dma_start3A_249, %dma_start3A_250] : memref<320x128xf32, #tpu.memory_space<vmem>> -> memref<128x128xf32, #tpu.memory_space<vmem>>
        %dma_start3A_252 = tpu.memref_slice %arg14[%add3A_248] : memref<10240xi32, #tpu.memory_space<vmem>> -> memref<128xi32, #tpu.memory_space<vmem>>
        %dma_start3A_253 = arith.constant 0 : i32
        %dma_start3A_254 = arith.constant 0 : i32
        %dma_start3A_255 = tpu.memref_slice %arg3[%dma_start3A_253, %dma_start3A_254] : memref<250880x128xf32, #tpu.memory_space<hbm>> -> memref<250880x128xf32, #tpu.memory_space<hbm>>
        tpu.enqueue_indirect_dma source(%dma_start3A_255 : memref<250880x128xf32, #tpu.memory_space<hbm>>) target(%dma_start3A_251 : memref<128x128xf32, #tpu.memory_space<vmem>>) offsets(%dma_start3A_252 : memref<128xi32, #tpu.memory_space<vmem>>) semaphore(%arg26 : memref<!tpu.dma_semaphore, #tpu.memory_space<semaphore_mem>>)
        %mul3A_256 = arith.constant 320 : i32
        %mul3A_257 = arith.muli %add3A_221, %mul3A_256 : i32
        %add3A_258 = arith.constant 256 : i32
        %add3A_259 = arith.addi %mul3A_257, %add3A_258 : i32
        %dma_start3A_260 = arith.constant 256 : i32
        %dma_start3A_261 = arith.constant 0 : i32
        %dma_start3A_262 = tpu.memref_slice %arg23[%dma_start3A_260, %dma_start3A_261] : memref<320x128xf32, #tpu.memory_space<vmem>> -> memref<64x128xf32, #tpu.memory_space<vmem>>
        %dma_start3A_263 = tpu.memref_slice %arg14[%add3A_259] : memref<10240xi32, #tpu.memory_space<vmem>> -> memref<64xi32, #tpu.memory_space<vmem>>
        %dma_start3A_264 = arith.constant 0 : i32
        %dma_start3A_265 = arith.constant 0 : i32
        %dma_start3A_266 = tpu.memref_slice %arg3[%dma_start3A_264, %dma_start3A_265] : memref<250880x128xf32, #tpu.memory_space<hbm>> -> memref<250880x128xf32, #tpu.memory_space<hbm>>
        tpu.enqueue_indirect_dma source(%dma_start3A_266 : memref<250880x128xf32, #tpu.memory_space<hbm>>) target(%dma_start3A_262 : memref<64x128xf32, #tpu.memory_space<vmem>>) offsets(%dma_start3A_263 : memref<64xi32, #tpu.memory_space<vmem>>) semaphore(%arg26 : memref<!tpu.dma_semaphore, #tpu.memory_space<semaphore_mem>>)
      } else {
      }
      %dma_wait3A = arith.constant 0 : i32
      %dma_wait3A_52 = arith.constant 0 : i32
      %dma_wait3A_53 = tpu.memref_slice %arg2[%dma_wait3A, %dma_wait3A_52] : memref<250880x128xf32, #tpu.memory_space<hbm>> -> memref<16x128xf32, #tpu.memory_space<hbm>>
      %dma_wait3A_54 = arith.constant 0 : i32
      %dma_wait3A_55 = arith.constant 0 : i32
      %dma_wait3A_56 = tpu.memref_slice %arg2[%dma_wait3A_54, %dma_wait3A_55] : memref<250880x128xf32, #tpu.memory_space<hbm>> -> memref<16x128xf32, #tpu.memory_space<hbm>>
      tpu.wait_dma2 semaphore(%arg26 : memref<!tpu.dma_semaphore, #tpu.memory_space<semaphore_mem>>) src(%dma_wait3A_56 : memref<16x128xf32, #tpu.memory_space<hbm>>) dst(%arg18 : memref<16x128xf32, #tpu.memory_space<vmem>>)
      %dma_wait3A_57 = arith.constant 0 : i32
      %dma_wait3A_58 = arith.constant 0 : i32
      %dma_wait3A_59 = tpu.memref_slice %arg3[%dma_wait3A_57, %dma_wait3A_58] : memref<250880x128xf32, #tpu.memory_space<hbm>> -> memref<16x128xf32, #tpu.memory_space<hbm>>
      %dma_wait3A_60 = arith.constant 0 : i32
      %dma_wait3A_61 = arith.constant 0 : i32
      %dma_wait3A_62 = tpu.memref_slice %arg3[%dma_wait3A_60, %dma_wait3A_61] : memref<250880x128xf32, #tpu.memory_space<hbm>> -> memref<16x128xf32, #tpu.memory_space<hbm>>
      tpu.wait_dma2 semaphore(%arg26 : memref<!tpu.dma_semaphore, #tpu.memory_space<semaphore_mem>>) src(%dma_wait3A_62 : memref<16x128xf32, #tpu.memory_space<hbm>>) dst(%arg19 : memref<16x128xf32, #tpu.memory_space<vmem>>)
      %dma_wait3A_63 = arith.constant 0 : i32
      %dma_wait3A_64 = arith.constant 0 : i32
      %dma_wait3A_65 = tpu.memref_slice %arg20[%dma_wait3A_63, %dma_wait3A_64] : memref<320x128xf32, #tpu.memory_space<vmem>> -> memref<128x128xf32, #tpu.memory_space<vmem>>
      %dma_wait3A_66 = arith.constant 0 : i32
      %dma_wait3A_67 = arith.constant 0 : i32
      %dma_wait3A_68 = tpu.memref_slice %arg3[%dma_wait3A_66, %dma_wait3A_67] : memref<250880x128xf32, #tpu.memory_space<hbm>> -> memref<128x128xf32, #tpu.memory_space<hbm>>
      %dma_wait3A_69 = arith.constant 0 : i32
      %dma_wait3A_70 = arith.constant 0 : i32
      %dma_wait3A_71 = tpu.memref_slice %arg20[%dma_wait3A_69, %dma_wait3A_70] : memref<320x128xf32, #tpu.memory_space<vmem>> -> memref<128x128xf32, #tpu.memory_space<vmem>>
      %dma_wait3A_72 = arith.constant 0 : i32
      %dma_wait3A_73 = arith.constant 0 : i32
      %dma_wait3A_74 = tpu.memref_slice %arg3[%dma_wait3A_72, %dma_wait3A_73] : memref<250880x128xf32, #tpu.memory_space<hbm>> -> memref<128x128xf32, #tpu.memory_space<hbm>>
      tpu.wait_dma2 semaphore(%arg26 : memref<!tpu.dma_semaphore, #tpu.memory_space<semaphore_mem>>) src(%dma_wait3A_74 : memref<128x128xf32, #tpu.memory_space<hbm>>) dst(%dma_wait3A_71 : memref<128x128xf32, #tpu.memory_space<vmem>>)
      %dma_wait3A_75 = arith.constant 128 : i32
      %dma_wait3A_76 = arith.constant 0 : i32
      %dma_wait3A_77 = tpu.memref_slice %arg20[%dma_wait3A_75, %dma_wait3A_76] : memref<320x128xf32, #tpu.memory_space<vmem>> -> memref<128x128xf32, #tpu.memory_space<vmem>>
      %dma_wait3A_78 = arith.constant 0 : i32
      %dma_wait3A_79 = arith.constant 0 : i32
      %dma_wait3A_80 = tpu.memref_slice %arg3[%dma_wait3A_78, %dma_wait3A_79] : memref<250880x128xf32, #tpu.memory_space<hbm>> -> memref<128x128xf32, #tpu.memory_space<hbm>>
      %dma_wait3A_81 = arith.constant 128 : i32
      %dma_wait3A_82 = arith.constant 0 : i32
      %dma_wait3A_83 = tpu.memref_slice %arg20[%dma_wait3A_81, %dma_wait3A_82] : memref<320x128xf32, #tpu.memory_space<vmem>> -> memref<128x128xf32, #tpu.memory_space<vmem>>
      %dma_wait3A_84 = arith.constant 0 : i32
      %dma_wait3A_85 = arith.constant 0 : i32
      %dma_wait3A_86 = tpu.memref_slice %arg3[%dma_wait3A_84, %dma_wait3A_85] : memref<250880x128xf32, #tpu.memory_space<hbm>> -> memref<128x128xf32, #tpu.memory_space<hbm>>
      tpu.wait_dma2 semaphore(%arg26 : memref<!tpu.dma_semaphore, #tpu.memory_space<semaphore_mem>>) src(%dma_wait3A_86 : memref<128x128xf32, #tpu.memory_space<hbm>>) dst(%dma_wait3A_83 : memref<128x128xf32, #tpu.memory_space<vmem>>)
      %dma_wait3A_87 = arith.constant 256 : i32
      %dma_wait3A_88 = arith.constant 0 : i32
      %dma_wait3A_89 = tpu.memref_slice %arg20[%dma_wait3A_87, %dma_wait3A_88] : memref<320x128xf32, #tpu.memory_space<vmem>> -> memref<64x128xf32, #tpu.memory_space<vmem>>
      %dma_wait3A_90 = arith.constant 0 : i32
      %dma_wait3A_91 = arith.constant 0 : i32
      %dma_wait3A_92 = tpu.memref_slice %arg3[%dma_wait3A_90, %dma_wait3A_91] : memref<250880x128xf32, #tpu.memory_space<hbm>> -> memref<64x128xf32, #tpu.memory_space<hbm>>
      %dma_wait3A_93 = arith.constant 256 : i32
      %dma_wait3A_94 = arith.constant 0 : i32
      %dma_wait3A_95 = tpu.memref_slice %arg20[%dma_wait3A_93, %dma_wait3A_94] : memref<320x128xf32, #tpu.memory_space<vmem>> -> memref<64x128xf32, #tpu.memory_space<vmem>>
      %dma_wait3A_96 = arith.constant 0 : i32
      %dma_wait3A_97 = arith.constant 0 : i32
      %dma_wait3A_98 = tpu.memref_slice %arg3[%dma_wait3A_96, %dma_wait3A_97] : memref<250880x128xf32, #tpu.memory_space<hbm>> -> memref<64x128xf32, #tpu.memory_space<hbm>>
      tpu.wait_dma2 semaphore(%arg26 : memref<!tpu.dma_semaphore, #tpu.memory_space<semaphore_mem>>) src(%dma_wait3A_98 : memref<64x128xf32, #tpu.memory_space<hbm>>) dst(%dma_wait3A_95 : memref<64x128xf32, #tpu.memory_space<vmem>>)
      %mul3A_99 = arith.constant 16 : i32
      %mul3A_100 = arith.muli %add3A_47, %mul3A_99 : i32
      %get3A = arith.index_cast %mul3A_100 : i32 to index
      %get3A_101 = tpu.vector_load %arg15[%get3A] {strides = array<i32>} : memref<512xi32, #tpu.memory_space<vmem>>, vector<16xi32>,
      %mul3A_102 = arith.constant 16 : i32
      %mul3A_103 = arith.muli %add3A_47, %mul3A_102 : i32
      %get3A_104 = arith.index_cast %mul3A_103 : i32 to index
      %get3A_105 = tpu.vector_load %arg16[%get3A_104] {strides = array<i32>} : memref<512xi32, #tpu.memory_space<vmem>>, vector<16xi32>,
      %mul3A_106 = arith.constant 16 : i32
      %mul3A_107 = arith.muli %add3A_47, %mul3A_106 : i32
      %add3A_108 = vector.broadcast %mul3A_107 : i32 to vector<16xi32>
      %add3A_109 = arith.addi %add3A_108, %iota3A : vector<16xi32>
      %mul3A_110 = arith.constant 20 : i32
      %mul3A_111 = vector.broadcast %mul3A_110 : i32 to vector<16xi32>
      %mul3A_112 = arith.muli %add3A_109, %mul3A_111 : vector<16xi32>
      %broadcast_in_dim3A = arith.constant 0.000000e+00 : f32
      %broadcast_in_dim3A_113 = vector.broadcast %broadcast_in_dim3A : f32 to vector<16xf32>
      %scan3A_114 = arith.constant 0 : i32
      %scan3A_115 = arith.constant 32 : i32
      %scan3A_116 = arith.addi %scan3A_114, %scan3A_115 : i32
      %scan3A_117 = arith.constant 1 : i32
      %scan3A_118:2 = scf.for %scan3A_220 = %scan3A_114 to %scan3A_116 step %scan3A_117 iter_args(%scan3A_221 = %broadcast_in_dim3A_113, %scan3A_222 = %broadcast_in_dim3A_113) -> (vector<16xf32>, vector<16xf32>)  : i32 {
        %mul3A_223 = arith.constant 1 : i32
        %mul3A_224 = arith.muli %scan3A_220, %mul3A_223 : i32
        %add3A_225 = arith.constant 0 : i32
        %add3A_226 = arith.addi %add3A_225, %mul3A_224 : i32
        %add3A_227 = vector.broadcast %add3A_226 : i32 to vector<16xi32>
        %add3A_228 = arith.addi %get3A_101, %add3A_227 : vector<16xi32>
        %gather3A = tpu.vector_load_idx %arg18[%iota3A, %add3A_228] : memref<16x128xf32, #tpu.memory_space<vmem>>[vector<16xi32>, vector<16xi32>], vector<16xf32>,
        %add3A_229 = vector.broadcast %add3A_226 : i32 to vector<16xi32>
        %add3A_230 = arith.addi %get3A_105, %add3A_229 : vector<16xi32>
        %gather3A_231 = tpu.vector_load_idx %arg19[%iota3A, %add3A_230] : memref<16x128xf32, #tpu.memory_space<vmem>>[vector<16xi32>, vector<16xi32>], vector<16xf32>,
        %broadcast_in_dim3A_232 = arith.constant 0.000000e+00 : f32
        %broadcast_in_dim3A_233 = vector.broadcast %broadcast_in_dim3A_232 : f32 to vector<16xf32>
        %add3A_234 = arith.constant 0 : i32
        %add3A_235 = vector.broadcast %add3A_234 : i32 to vector<16xi32>
        %add3A_236 = arith.addi %mul3A_112, %add3A_235 : vector<16xi32>
        %gather3A_237 = tpu.vector_load_idx %arg17[%add3A_236] : memref<10240xi32, #tpu.memory_space<vmem>>[vector<16xi32>], vector<16xi32>,
        %add3A_238 = arith.constant 0 : i32
        %add3A_239 = vector.broadcast %add3A_238 : i32 to vector<16xi32>
        %add3A_240 = arith.addi %mul3A_3, %add3A_239 : vector<16xi32>
        %add3A_241 = vector.broadcast %add3A_226 : i32 to vector<16xi32>
        %add3A_242 = arith.addi %gather3A_237, %add3A_241 : vector<16xi32>
        %gather3A_243 = tpu.vector_load_idx %arg20[%add3A_240, %add3A_242] : memref<320x128xf32, #tpu.memory_space<vmem>>[vector<16xi32>, vector<16xi32>], vector<16xf32>,
        %add3A_244 = arith.addf %broadcast_in_dim3A_233, %gather3A_243 : vector<16xf32>
        %add3A_245 = arith.constant 1 : i32
        %add3A_246 = vector.broadcast %add3A_245 : i32 to vector<16xi32>
        %add3A_247 = arith.addi %mul3A_112, %add3A_246 : vector<16xi32>
        %gather3A_248 = tpu.vector_load_idx %arg17[%add3A_247] : memref<10240xi32, #tpu.memory_space<vmem>>[vector<16xi32>], vector<16xi32>,
        %add3A_249 = arith.constant 1 : i32
        %add3A_250 = vector.broadcast %add3A_249 : i32 to vector<16xi32>
        %add3A_251 = arith.addi %mul3A_3, %add3A_250 : vector<16xi32>
        %add3A_252 = vector.broadcast %add3A_226 : i32 to vector<16xi32>
        %add3A_253 = arith.addi %gather3A_248, %add3A_252 : vector<16xi32>
        %gather3A_254 = tpu.vector_load_idx %arg20[%add3A_251, %add3A_253] : memref<320x128xf32, #tpu.memory_space<vmem>>[vector<16xi32>, vector<16xi32>], vector<16xf32>,
        %add3A_255 = arith.addf %add3A_244, %gather3A_254 : vector<16xf32>
        %add3A_256 = arith.constant 2 : i32
        %add3A_257 = vector.broadcast %add3A_256 : i32 to vector<16xi32>
        %add3A_258 = arith.addi %mul3A_112, %add3A_257 : vector<16xi32>
        %gather3A_259 = tpu.vector_load_idx %arg17[%add3A_258] : memref<10240xi32, #tpu.memory_space<vmem>>[vector<16xi32>], vector<16xi32>,
        %add3A_260 = arith.constant 2 : i32
        %add3A_261 = vector.broadcast %add3A_260 : i32 to vector<16xi32>
        %add3A_262 = arith.addi %mul3A_3, %add3A_261 : vector<16xi32>
        %add3A_263 = vector.broadcast %add3A_226 : i32 to vector<16xi32>
        %add3A_264 = arith.addi %gather3A_259, %add3A_263 : vector<16xi32>
        %gather3A_265 = tpu.vector_load_idx %arg20[%add3A_262, %add3A_264] : memref<320x128xf32, #tpu.memory_space<vmem>>[vector<16xi32>, vector<16xi32>], vector<16xf32>,
        %add3A_266 = arith.addf %add3A_255, %gather3A_265 : vector<16xf32>
        %add3A_267 = arith.constant 3 : i32
        %add3A_268 = vector.broadcast %add3A_267 : i32 to vector<16xi32>
        %add3A_269 = arith.addi %mul3A_112, %add3A_268 : vector<16xi32>
        %gather3A_270 = tpu.vector_load_idx %arg17[%add3A_269] : memref<10240xi32, #tpu.memory_space<vmem>>[vector<16xi32>], vector<16xi32>,
        %add3A_271 = arith.constant 3 : i32
        %add3A_272 = vector.broadcast %add3A_271 : i32 to vector<16xi32>
        %add3A_273 = arith.addi %mul3A_3, %add3A_272 : vector<16xi32>
        %add3A_274 = vector.broadcast %add3A_226 : i32 to vector<16xi32>
        %add3A_275 = arith.addi %gather3A_270, %add3A_274 : vector<16xi32>
        %gather3A_276 = tpu.vector_load_idx %arg20[%add3A_273, %add3A_275] : memref<320x128xf32, #tpu.memory_space<vmem>>[vector<16xi32>, vector<16xi32>], vector<16xf32>,
        %add3A_277 = arith.addf %add3A_266, %gather3A_276 : vector<16xf32>
        %add3A_278 = arith.constant 4 : i32
        %add3A_279 = vector.broadcast %add3A_278 : i32 to vector<16xi32>
        %add3A_280 = arith.addi %mul3A_112, %add3A_279 : vector<16xi32>
        %gather3A_281 = tpu.vector_load_idx %arg17[%add3A_280] : memref<10240xi32, #tpu.memory_space<vmem>>[vector<16xi32>], vector<16xi32>,
        %add3A_282 = arith.constant 4 : i32
        %add3A_283 = vector.broadcast %add3A_282 : i32 to vector<16xi32>
        %add3A_284 = arith.addi %mul3A_3, %add3A_283 : vector<16xi32>
        %add3A_285 = vector.broadcast %add3A_226 : i32 to vector<16xi32>
        %add3A_286 = arith.addi %gather3A_281, %add3A_285 : vector<16xi32>
        %gather3A_287 = tpu.vector_load_idx %arg20[%add3A_284, %add3A_286] : memref<320x128xf32, #tpu.memory_space<vmem>>[vector<16xi32>, vector<16xi32>], vector<16xf32>,
        %add3A_288 = arith.addf %add3A_277, %gather3A_287 : vector<16xf32>
        %add3A_289 = arith.constant 5 : i32
        %add3A_290 = vector.broadcast %add3A_289 : i32 to vector<16xi32>
        %add3A_291 = arith.addi %mul3A_112, %add3A_290 : vector<16xi32>
        %gather3A_292 = tpu.vector_load_idx %arg17[%add3A_291] : memref<10240xi32, #tpu.memory_space<vmem>>[vector<16xi32>], vector<16xi32>,
        %add3A_293 = arith.constant 5 : i32
        %add3A_294 = vector.broadcast %add3A_293 : i32 to vector<16xi32>
        %add3A_295 = arith.addi %mul3A_3, %add3A_294 : vector<16xi32>
        %add3A_296 = vector.broadcast %add3A_226 : i32 to vector<16xi32>
        %add3A_297 = arith.addi %gather3A_292, %add3A_296 : vector<16xi32>
        %gather3A_298 = tpu.vector_load_idx %arg20[%add3A_295, %add3A_297] : memref<320x128xf32, #tpu.memory_space<vmem>>[vector<16xi32>, vector<16xi32>], vector<16xf32>,
        %add3A_299 = arith.addf %add3A_288, %gather3A_298 : vector<16xf32>
        %add3A_300 = arith.constant 6 : i32
        %add3A_301 = vector.broadcast %add3A_300 : i32 to vector<16xi32>
        %add3A_302 = arith.addi %mul3A_112, %add3A_301 : vector<16xi32>
        %gather3A_303 = tpu.vector_load_idx %arg17[%add3A_302] : memref<10240xi32, #tpu.memory_space<vmem>>[vector<16xi32>], vector<16xi32>,
        %add3A_304 = arith.constant 6 : i32
        %add3A_305 = vector.broadcast %add3A_304 : i32 to vector<16xi32>
        %add3A_306 = arith.addi %mul3A_3, %add3A_305 : vector<16xi32>
        %add3A_307 = vector.broadcast %add3A_226 : i32 to vector<16xi32>
        %add3A_308 = arith.addi %gather3A_303, %add3A_307 : vector<16xi32>
        %gather3A_309 = tpu.vector_load_idx %arg20[%add3A_306, %add3A_308] : memref<320x128xf32, #tpu.memory_space<vmem>>[vector<16xi32>, vector<16xi32>], vector<16xf32>,
        %add3A_310 = arith.addf %add3A_299, %gather3A_309 : vector<16xf32>
        %add3A_311 = arith.constant 7 : i32
        %add3A_312 = vector.broadcast %add3A_311 : i32 to vector<16xi32>
        %add3A_313 = arith.addi %mul3A_112, %add3A_312 : vector<16xi32>
        %gather3A_314 = tpu.vector_load_idx %arg17[%add3A_313] : memref<10240xi32, #tpu.memory_space<vmem>>[vector<16xi32>], vector<16xi32>,
        %add3A_315 = arith.constant 7 : i32
        %add3A_316 = vector.broadcast %add3A_315 : i32 to vector<16xi32>
        %add3A_317 = arith.addi %mul3A_3, %add3A_316 : vector<16xi32>
        %add3A_318 = vector.broadcast %add3A_226 : i32 to vector<16xi32>
        %add3A_319 = arith.addi %gather3A_314, %add3A_318 : vector<16xi32>
        %gather3A_320 = tpu.vector_load_idx %arg20[%add3A_317, %add3A_319] : memref<320x128xf32, #tpu.memory_space<vmem>>[vector<16xi32>, vector<16xi32>], vector<16xf32>,
        %add3A_321 = arith.addf %add3A_310, %gather3A_320 : vector<16xf32>
        %add3A_322 = arith.constant 8 : i32
        %add3A_323 = vector.broadcast %add3A_322 : i32 to vector<16xi32>
        %add3A_324 = arith.addi %mul3A_112, %add3A_323 : vector<16xi32>
        %gather3A_325 = tpu.vector_load_idx %arg17[%add3A_324] : memref<10240xi32, #tpu.memory_space<vmem>>[vector<16xi32>], vector<16xi32>,
        %add3A_326 = arith.constant 8 : i32
        %add3A_327 = vector.broadcast %add3A_326 : i32 to vector<16xi32>
        %add3A_328 = arith.addi %mul3A_3, %add3A_327 : vector<16xi32>
        %add3A_329 = vector.broadcast %add3A_226 : i32 to vector<16xi32>
        %add3A_330 = arith.addi %gather3A_325, %add3A_329 : vector<16xi32>
        %gather3A_331 = tpu.vector_load_idx %arg20[%add3A_328, %add3A_330] : memref<320x128xf32, #tpu.memory_space<vmem>>[vector<16xi32>, vector<16xi32>], vector<16xf32>,
        %add3A_332 = arith.addf %add3A_321, %gather3A_331 : vector<16xf32>
        %add3A_333 = arith.constant 9 : i32
        %add3A_334 = vector.broadcast %add3A_333 : i32 to vector<16xi32>
        %add3A_335 = arith.addi %mul3A_112, %add3A_334 : vector<16xi32>
        %gather3A_336 = tpu.vector_load_idx %arg17[%add3A_335] : memref<10240xi32, #tpu.memory_space<vmem>>[vector<16xi32>], vector<16xi32>,
        %add3A_337 = arith.constant 9 : i32
        %add3A_338 = vector.broadcast %add3A_337 : i32 to vector<16xi32>
        %add3A_339 = arith.addi %mul3A_3, %add3A_338 : vector<16xi32>
        %add3A_340 = vector.broadcast %add3A_226 : i32 to vector<16xi32>
        %add3A_341 = arith.addi %gather3A_336, %add3A_340 : vector<16xi32>
        %gather3A_342 = tpu.vector_load_idx %arg20[%add3A_339, %add3A_341] : memref<320x128xf32, #tpu.memory_space<vmem>>[vector<16xi32>, vector<16xi32>], vector<16xf32>,
        %add3A_343 = arith.addf %add3A_332, %gather3A_342 : vector<16xf32>
        %add3A_344 = arith.constant 10 : i32
        %add3A_345 = vector.broadcast %add3A_344 : i32 to vector<16xi32>
        %add3A_346 = arith.addi %mul3A_112, %add3A_345 : vector<16xi32>
        %gather3A_347 = tpu.vector_load_idx %arg17[%add3A_346] : memref<10240xi32, #tpu.memory_space<vmem>>[vector<16xi32>], vector<16xi32>,
        %add3A_348 = arith.constant 10 : i32
        %add3A_349 = vector.broadcast %add3A_348 : i32 to vector<16xi32>
        %add3A_350 = arith.addi %mul3A_3, %add3A_349 : vector<16xi32>
        %add3A_351 = vector.broadcast %add3A_226 : i32 to vector<16xi32>
        %add3A_352 = arith.addi %gather3A_347, %add3A_351 : vector<16xi32>
        %gather3A_353 = tpu.vector_load_idx %arg20[%add3A_350, %add3A_352] : memref<320x128xf32, #tpu.memory_space<vmem>>[vector<16xi32>, vector<16xi32>], vector<16xf32>,
        %add3A_354 = arith.addf %add3A_343, %gather3A_353 : vector<16xf32>
        %add3A_355 = arith.constant 11 : i32
        %add3A_356 = vector.broadcast %add3A_355 : i32 to vector<16xi32>
        %add3A_357 = arith.addi %mul3A_112, %add3A_356 : vector<16xi32>
        %gather3A_358 = tpu.vector_load_idx %arg17[%add3A_357] : memref<10240xi32, #tpu.memory_space<vmem>>[vector<16xi32>], vector<16xi32>,
        %add3A_359 = arith.constant 11 : i32
        %add3A_360 = vector.broadcast %add3A_359 : i32 to vector<16xi32>
        %add3A_361 = arith.addi %mul3A_3, %add3A_360 : vector<16xi32>
        %add3A_362 = vector.broadcast %add3A_226 : i32 to vector<16xi32>
        %add3A_363 = arith.addi %gather3A_358, %add3A_362 : vector<16xi32>
        %gather3A_364 = tpu.vector_load_idx %arg20[%add3A_361, %add3A_363] : memref<320x128xf32, #tpu.memory_space<vmem>>[vector<16xi32>, vector<16xi32>], vector<16xf32>,
        %add3A_365 = arith.addf %add3A_354, %gather3A_364 : vector<16xf32>
        %add3A_366 = arith.constant 12 : i32
        %add3A_367 = vector.broadcast %add3A_366 : i32 to vector<16xi32>
        %add3A_368 = arith.addi %mul3A_112, %add3A_367 : vector<16xi32>
        %gather3A_369 = tpu.vector_load_idx %arg17[%add3A_368] : memref<10240xi32, #tpu.memory_space<vmem>>[vector<16xi32>], vector<16xi32>,
        %add3A_370 = arith.constant 12 : i32
        %add3A_371 = vector.broadcast %add3A_370 : i32 to vector<16xi32>
        %add3A_372 = arith.addi %mul3A_3, %add3A_371 : vector<16xi32>
        %add3A_373 = vector.broadcast %add3A_226 : i32 to vector<16xi32>
        %add3A_374 = arith.addi %gather3A_369, %add3A_373 : vector<16xi32>
        %gather3A_375 = tpu.vector_load_idx %arg20[%add3A_372, %add3A_374] : memref<320x128xf32, #tpu.memory_space<vmem>>[vector<16xi32>, vector<16xi32>], vector<16xf32>,
        %add3A_376 = arith.addf %add3A_365, %gather3A_375 : vector<16xf32>
        %add3A_377 = arith.constant 13 : i32
        %add3A_378 = vector.broadcast %add3A_377 : i32 to vector<16xi32>
        %add3A_379 = arith.addi %mul3A_112, %add3A_378 : vector<16xi32>
        %gather3A_380 = tpu.vector_load_idx %arg17[%add3A_379] : memref<10240xi32, #tpu.memory_space<vmem>>[vector<16xi32>], vector<16xi32>,
        %add3A_381 = arith.constant 13 : i32
        %add3A_382 = vector.broadcast %add3A_381 : i32 to vector<16xi32>
        %add3A_383 = arith.addi %mul3A_3, %add3A_382 : vector<16xi32>
        %add3A_384 = vector.broadcast %add3A_226 : i32 to vector<16xi32>
        %add3A_385 = arith.addi %gather3A_380, %add3A_384 : vector<16xi32>
        %gather3A_386 = tpu.vector_load_idx %arg20[%add3A_383, %add3A_385] : memref<320x128xf32, #tpu.memory_space<vmem>>[vector<16xi32>, vector<16xi32>], vector<16xf32>,
        %add3A_387 = arith.addf %add3A_376, %gather3A_386 : vector<16xf32>
        %add3A_388 = arith.constant 14 : i32
        %add3A_389 = vector.broadcast %add3A_388 : i32 to vector<16xi32>
        %add3A_390 = arith.addi %mul3A_112, %add3A_389 : vector<16xi32>
        %gather3A_391 = tpu.vector_load_idx %arg17[%add3A_390] : memref<10240xi32, #tpu.memory_space<vmem>>[vector<16xi32>], vector<16xi32>,
        %add3A_392 = arith.constant 14 : i32
        %add3A_393 = vector.broadcast %add3A_392 : i32 to vector<16xi32>
        %add3A_394 = arith.addi %mul3A_3, %add3A_393 : vector<16xi32>
        %add3A_395 = vector.broadcast %add3A_226 : i32 to vector<16xi32>
        %add3A_396 = arith.addi %gather3A_391, %add3A_395 : vector<16xi32>
        %gather3A_397 = tpu.vector_load_idx %arg20[%add3A_394, %add3A_396] : memref<320x128xf32, #tpu.memory_space<vmem>>[vector<16xi32>, vector<16xi32>], vector<16xf32>,
        %add3A_398 = arith.addf %add3A_387, %gather3A_397 : vector<16xf32>
        %add3A_399 = arith.constant 15 : i32
        %add3A_400 = vector.broadcast %add3A_399 : i32 to vector<16xi32>
        %add3A_401 = arith.addi %mul3A_112, %add3A_400 : vector<16xi32>
        %gather3A_402 = tpu.vector_load_idx %arg17[%add3A_401] : memref<10240xi32, #tpu.memory_space<vmem>>[vector<16xi32>], vector<16xi32>,
        %add3A_403 = arith.constant 15 : i32
        %add3A_404 = vector.broadcast %add3A_403 : i32 to vector<16xi32>
        %add3A_405 = arith.addi %mul3A_3, %add3A_404 : vector<16xi32>
        %add3A_406 = vector.broadcast %add3A_226 : i32 to vector<16xi32>
        %add3A_407 = arith.addi %gather3A_402, %add3A_406 : vector<16xi32>
        %gather3A_408 = tpu.vector_load_idx %arg20[%add3A_405, %add3A_407] : memref<320x128xf32, #tpu.memory_space<vmem>>[vector<16xi32>, vector<16xi32>], vector<16xf32>,
        %add3A_409 = arith.addf %add3A_398, %gather3A_408 : vector<16xf32>
        %add3A_410 = arith.constant 16 : i32
        %add3A_411 = vector.broadcast %add3A_410 : i32 to vector<16xi32>
        %add3A_412 = arith.addi %mul3A_112, %add3A_411 : vector<16xi32>
        %gather3A_413 = tpu.vector_load_idx %arg17[%add3A_412] : memref<10240xi32, #tpu.memory_space<vmem>>[vector<16xi32>], vector<16xi32>,
        %add3A_414 = arith.constant 16 : i32
        %add3A_415 = vector.broadcast %add3A_414 : i32 to vector<16xi32>
        %add3A_416 = arith.addi %mul3A_3, %add3A_415 : vector<16xi32>
        %add3A_417 = vector.broadcast %add3A_226 : i32 to vector<16xi32>
        %add3A_418 = arith.addi %gather3A_413, %add3A_417 : vector<16xi32>
        %gather3A_419 = tpu.vector_load_idx %arg20[%add3A_416, %add3A_418] : memref<320x128xf32, #tpu.memory_space<vmem>>[vector<16xi32>, vector<16xi32>], vector<16xf32>,
        %add3A_420 = arith.addf %add3A_409, %gather3A_419 : vector<16xf32>
        %add3A_421 = arith.constant 17 : i32
        %add3A_422 = vector.broadcast %add3A_421 : i32 to vector<16xi32>
        %add3A_423 = arith.addi %mul3A_112, %add3A_422 : vector<16xi32>
        %gather3A_424 = tpu.vector_load_idx %arg17[%add3A_423] : memref<10240xi32, #tpu.memory_space<vmem>>[vector<16xi32>], vector<16xi32>,
        %add3A_425 = arith.constant 17 : i32
        %add3A_426 = vector.broadcast %add3A_425 : i32 to vector<16xi32>
        %add3A_427 = arith.addi %mul3A_3, %add3A_426 : vector<16xi32>
        %add3A_428 = vector.broadcast %add3A_226 : i32 to vector<16xi32>
        %add3A_429 = arith.addi %gather3A_424, %add3A_428 : vector<16xi32>
        %gather3A_430 = tpu.vector_load_idx %arg20[%add3A_427, %add3A_429] : memref<320x128xf32, #tpu.memory_space<vmem>>[vector<16xi32>, vector<16xi32>], vector<16xf32>,
        %add3A_431 = arith.addf %add3A_420, %gather3A_430 : vector<16xf32>
        %add3A_432 = arith.constant 18 : i32
        %add3A_433 = vector.broadcast %add3A_432 : i32 to vector<16xi32>
        %add3A_434 = arith.addi %mul3A_112, %add3A_433 : vector<16xi32>
        %gather3A_435 = tpu.vector_load_idx %arg17[%add3A_434] : memref<10240xi32, #tpu.memory_space<vmem>>[vector<16xi32>], vector<16xi32>,
        %add3A_436 = arith.constant 18 : i32
        %add3A_437 = vector.broadcast %add3A_436 : i32 to vector<16xi32>
        %add3A_438 = arith.addi %mul3A_3, %add3A_437 : vector<16xi32>
        %add3A_439 = vector.broadcast %add3A_226 : i32 to vector<16xi32>
        %add3A_440 = arith.addi %gather3A_435, %add3A_439 : vector<16xi32>
        %gather3A_441 = tpu.vector_load_idx %arg20[%add3A_438, %add3A_440] : memref<320x128xf32, #tpu.memory_space<vmem>>[vector<16xi32>, vector<16xi32>], vector<16xf32>,
        %add3A_442 = arith.addf %add3A_431, %gather3A_441 : vector<16xf32>
        %add3A_443 = arith.constant 19 : i32
        %add3A_444 = vector.broadcast %add3A_443 : i32 to vector<16xi32>
        %add3A_445 = arith.addi %mul3A_112, %add3A_444 : vector<16xi32>
        %gather3A_446 = tpu.vector_load_idx %arg17[%add3A_445] : memref<10240xi32, #tpu.memory_space<vmem>>[vector<16xi32>], vector<16xi32>,
        %add3A_447 = arith.constant 19 : i32
        %add3A_448 = vector.broadcast %add3A_447 : i32 to vector<16xi32>
        %add3A_449 = arith.addi %mul3A_3, %add3A_448 : vector<16xi32>
        %add3A_450 = vector.broadcast %add3A_226 : i32 to vector<16xi32>
        %add3A_451 = arith.addi %gather3A_446, %add3A_450 : vector<16xi32>
        %gather3A_452 = tpu.vector_load_idx %arg20[%add3A_449, %add3A_451] : memref<320x128xf32, #tpu.memory_space<vmem>>[vector<16xi32>, vector<16xi32>], vector<16xf32>,
        %add3A_453 = arith.addf %add3A_442, %gather3A_452 : vector<16xf32>
        %mul3A_454 = arith.mulf %gather3A, %gather3A_231 : vector<16xf32>
        %add3A_455 = arith.addf %scan3A_221, %mul3A_454 : vector<16xf32>
        %mul3A_456 = arith.mulf %gather3A, %add3A_453 : vector<16xf32>
        %add3A_457 = arith.addf %scan3A_222, %mul3A_456 : vector<16xf32>
        scf.yield %add3A_455, %add3A_457 : vector<16xf32>, vector<16xf32>
      }
      %scan3A_119 = arith.constant 32 : i32
      %mul3A_120 = arith.constant 16 : i32
      %mul3A_121 = arith.muli %add3A_47, %mul3A_120 : i32
      %swap3A = arith.index_cast %mul3A_121 : i32 to index
      %swap3A_122 = tpu.vector_load %arg24[%swap3A] {strides = array<i32>} : memref<512xf32, #tpu.memory_space<vmem>>, vector<16xf32>,
      tpu.vector_store %arg24[%swap3A], %scan3A_118#0 {strides = array<i32>} : memref<512xf32, #tpu.memory_space<vmem>>, vector<16xf32>,
      %neg3A = arith.constant 0.000000e+00 : f32
      %neg3A_123 = vector.broadcast %neg3A : f32 to vector<16xf32>
      %neg3A_124 = arith.subf %neg3A_123, %scan3A_118#1 : vector<16xf32>
      %mul3A_125 = arith.constant 16 : i32
      %mul3A_126 = arith.muli %add3A_47, %mul3A_125 : i32
      %swap3A_127 = arith.index_cast %mul3A_126 : i32 to index
      %swap3A_128 = tpu.vector_load %arg25[%swap3A_127] {strides = array<i32>} : memref<512xf32, #tpu.memory_space<vmem>>, vector<16xf32>,
      tpu.vector_store %arg25[%swap3A_127], %neg3A_124 {strides = array<i32>} : memref<512xf32, #tpu.memory_space<vmem>>, vector<16xf32>,
      %add3A_129 = arith.constant 1 : i32
      %add3A_130 = arith.addi %add3A_45, %add3A_129 : i32
      %add3A_131 = arith.constant 1 : i32
      %add3A_132 = arith.addi %add3A_130, %add3A_131 : i32
      %lt3A_133 = arith.constant 32 : i32
      %lt3A_134 = arith.cmpi slt, %add3A_132, %lt3A_133 : i32
      %convert_element_type3A_135 = arith.extui %lt3A_134 : i1 to i32
      %cond3A_136 = arith.constant 0 : i32
      %cond3A_137 = arith.cmpi ne, %convert_element_type3A_135, %cond3A_136 : i32
      scf.if %cond3A_137 {
        %add3A_220 = arith.constant 1 : i32
        %add3A_221 = arith.addi %add3A_130, %add3A_220 : i32
        %mul3A_222 = arith.constant 16 : i32
        %mul3A_223 = arith.muli %add3A_221, %mul3A_222 : i32
        %dma_start3A_224 = tpu.memref_slice %arg12[%mul3A_223] : memref<512xi32, #tpu.memory_space<vmem>> -> memref<16xi32, #tpu.memory_space<vmem>>
        %dma_start3A_225 = arith.constant 0 : i32
        %dma_start3A_226 = arith.constant 0 : i32
        %dma_start3A_227 = tpu.memref_slice %arg2[%dma_start3A_225, %dma_start3A_226] : memref<250880x128xf32, #tpu.memory_space<hbm>> -> memref<250880x128xf32, #tpu.memory_space<hbm>>
        tpu.enqueue_indirect_dma source(%dma_start3A_227 : memref<250880x128xf32, #tpu.memory_space<hbm>>) target(%arg18 : memref<16x128xf32, #tpu.memory_space<vmem>>) offsets(%dma_start3A_224 : memref<16xi32, #tpu.memory_space<vmem>>) semaphore(%arg26 : memref<!tpu.dma_semaphore, #tpu.memory_space<semaphore_mem>>)
        %mul3A_228 = arith.constant 16 : i32
        %mul3A_229 = arith.muli %add3A_221, %mul3A_228 : i32
        %dma_start3A_230 = tpu.memref_slice %arg13[%mul3A_229] : memref<512xi32, #tpu.memory_space<vmem>> -> memref<16xi32, #tpu.memory_space<vmem>>
        %dma_start3A_231 = arith.constant 0 : i32
        %dma_start3A_232 = arith.constant 0 : i32
        %dma_start3A_233 = tpu.memref_slice %arg3[%dma_start3A_231, %dma_start3A_232] : memref<250880x128xf32, #tpu.memory_space<hbm>> -> memref<250880x128xf32, #tpu.memory_space<hbm>>
        tpu.enqueue_indirect_dma source(%dma_start3A_233 : memref<250880x128xf32, #tpu.memory_space<hbm>>) target(%arg19 : memref<16x128xf32, #tpu.memory_space<vmem>>) offsets(%dma_start3A_230 : memref<16xi32, #tpu.memory_space<vmem>>) semaphore(%arg26 : memref<!tpu.dma_semaphore, #tpu.memory_space<semaphore_mem>>)
        %mul3A_234 = arith.constant 320 : i32
        %mul3A_235 = arith.muli %add3A_221, %mul3A_234 : i32
        %add3A_236 = arith.constant 0 : i32
        %add3A_237 = arith.addi %mul3A_235, %add3A_236 : i32
        %dma_start3A_238 = arith.constant 0 : i32
        %dma_start3A_239 = arith.constant 0 : i32
        %dma_start3A_240 = tpu.memref_slice %arg20[%dma_start3A_238, %dma_start3A_239] : memref<320x128xf32, #tpu.memory_space<vmem>> -> memref<128x128xf32, #tpu.memory_space<vmem>>
        %dma_start3A_241 = tpu.memref_slice %arg14[%add3A_237] : memref<10240xi32, #tpu.memory_space<vmem>> -> memref<128xi32, #tpu.memory_space<vmem>>
        %dma_start3A_242 = arith.constant 0 : i32
        %dma_start3A_243 = arith.constant 0 : i32
        %dma_start3A_244 = tpu.memref_slice %arg3[%dma_start3A_242, %dma_start3A_243] : memref<250880x128xf32, #tpu.memory_space<hbm>> -> memref<250880x128xf32, #tpu.memory_space<hbm>>
        tpu.enqueue_indirect_dma source(%dma_start3A_244 : memref<250880x128xf32, #tpu.memory_space<hbm>>) target(%dma_start3A_240 : memref<128x128xf32, #tpu.memory_space<vmem>>) offsets(%dma_start3A_241 : memref<128xi32, #tpu.memory_space<vmem>>) semaphore(%arg26 : memref<!tpu.dma_semaphore, #tpu.memory_space<semaphore_mem>>)
        %mul3A_245 = arith.constant 320 : i32
        %mul3A_246 = arith.muli %add3A_221, %mul3A_245 : i32
        %add3A_247 = arith.constant 128 : i32
        %add3A_248 = arith.addi %mul3A_246, %add3A_247 : i32
        %dma_start3A_249 = arith.constant 128 : i32
        %dma_start3A_250 = arith.constant 0 : i32
        %dma_start3A_251 = tpu.memref_slice %arg20[%dma_start3A_249, %dma_start3A_250] : memref<320x128xf32, #tpu.memory_space<vmem>> -> memref<128x128xf32, #tpu.memory_space<vmem>>
        %dma_start3A_252 = tpu.memref_slice %arg14[%add3A_248] : memref<10240xi32, #tpu.memory_space<vmem>> -> memref<128xi32, #tpu.memory_space<vmem>>
        %dma_start3A_253 = arith.constant 0 : i32
        %dma_start3A_254 = arith.constant 0 : i32
        %dma_start3A_255 = tpu.memref_slice %arg3[%dma_start3A_253, %dma_start3A_254] : memref<250880x128xf32, #tpu.memory_space<hbm>> -> memref<250880x128xf32, #tpu.memory_space<hbm>>
        tpu.enqueue_indirect_dma source(%dma_start3A_255 : memref<250880x128xf32, #tpu.memory_space<hbm>>) target(%dma_start3A_251 : memref<128x128xf32, #tpu.memory_space<vmem>>) offsets(%dma_start3A_252 : memref<128xi32, #tpu.memory_space<vmem>>) semaphore(%arg26 : memref<!tpu.dma_semaphore, #tpu.memory_space<semaphore_mem>>)
        %mul3A_256 = arith.constant 320 : i32
        %mul3A_257 = arith.muli %add3A_221, %mul3A_256 : i32
        %add3A_258 = arith.constant 256 : i32
        %add3A_259 = arith.addi %mul3A_257, %add3A_258 : i32
        %dma_start3A_260 = arith.constant 256 : i32
        %dma_start3A_261 = arith.constant 0 : i32
        %dma_start3A_262 = tpu.memref_slice %arg20[%dma_start3A_260, %dma_start3A_261] : memref<320x128xf32, #tpu.memory_space<vmem>> -> memref<64x128xf32, #tpu.memory_space<vmem>>
        %dma_start3A_263 = tpu.memref_slice %arg14[%add3A_259] : memref<10240xi32, #tpu.memory_space<vmem>> -> memref<64xi32, #tpu.memory_space<vmem>>
        %dma_start3A_264 = arith.constant 0 : i32
        %dma_start3A_265 = arith.constant 0 : i32
        %dma_start3A_266 = tpu.memref_slice %arg3[%dma_start3A_264, %dma_start3A_265] : memref<250880x128xf32, #tpu.memory_space<hbm>> -> memref<250880x128xf32, #tpu.memory_space<hbm>>
        tpu.enqueue_indirect_dma source(%dma_start3A_266 : memref<250880x128xf32, #tpu.memory_space<hbm>>) target(%dma_start3A_262 : memref<64x128xf32, #tpu.memory_space<vmem>>) offsets(%dma_start3A_263 : memref<64xi32, #tpu.memory_space<vmem>>) semaphore(%arg26 : memref<!tpu.dma_semaphore, #tpu.memory_space<semaphore_mem>>)
      } else {
      }
      %dma_wait3A_138 = arith.constant 0 : i32
      %dma_wait3A_139 = arith.constant 0 : i32
      %dma_wait3A_140 = tpu.memref_slice %arg2[%dma_wait3A_138, %dma_wait3A_139] : memref<250880x128xf32, #tpu.memory_space<hbm>> -> memref<16x128xf32, #tpu.memory_space<hbm>>
      %dma_wait3A_141 = arith.constant 0 : i32
      %dma_wait3A_142 = arith.constant 0 : i32
      %dma_wait3A_143 = tpu.memref_slice %arg2[%dma_wait3A_141, %dma_wait3A_142] : memref<250880x128xf32, #tpu.memory_space<hbm>> -> memref<16x128xf32, #tpu.memory_space<hbm>>
      tpu.wait_dma2 semaphore(%arg26 : memref<!tpu.dma_semaphore, #tpu.memory_space<semaphore_mem>>) src(%dma_wait3A_143 : memref<16x128xf32, #tpu.memory_space<hbm>>) dst(%arg21 : memref<16x128xf32, #tpu.memory_space<vmem>>)
      %dma_wait3A_144 = arith.constant 0 : i32
      %dma_wait3A_145 = arith.constant 0 : i32
      %dma_wait3A_146 = tpu.memref_slice %arg3[%dma_wait3A_144, %dma_wait3A_145] : memref<250880x128xf32, #tpu.memory_space<hbm>> -> memref<16x128xf32, #tpu.memory_space<hbm>>
      %dma_wait3A_147 = arith.constant 0 : i32
      %dma_wait3A_148 = arith.constant 0 : i32
      %dma_wait3A_149 = tpu.memref_slice %arg3[%dma_wait3A_147, %dma_wait3A_148] : memref<250880x128xf32, #tpu.memory_space<hbm>> -> memref<16x128xf32, #tpu.memory_space<hbm>>
      tpu.wait_dma2 semaphore(%arg26 : memref<!tpu.dma_semaphore, #tpu.memory_space<semaphore_mem>>) src(%dma_wait3A_149 : memref<16x128xf32, #tpu.memory_space<hbm>>) dst(%arg22 : memref<16x128xf32, #tpu.memory_space<vmem>>)
      %dma_wait3A_150 = arith.constant 0 : i32
      %dma_wait3A_151 = arith.constant 0 : i32
      %dma_wait3A_152 = tpu.memref_slice %arg23[%dma_wait3A_150, %dma_wait3A_151] : memref<320x128xf32, #tpu.memory_space<vmem>> -> memref<128x128xf32, #tpu.memory_space<vmem>>
      %dma_wait3A_153 = arith.constant 0 : i32
      %dma_wait3A_154 = arith.constant 0 : i32
      %dma_wait3A_155 = tpu.memref_slice %arg3[%dma_wait3A_153, %dma_wait3A_154] : memref<250880x128xf32, #tpu.memory_space<hbm>> -> memref<128x128xf32, #tpu.memory_space<hbm>>
      %dma_wait3A_156 = arith.constant 0 : i32
      %dma_wait3A_157 = arith.constant 0 : i32
      %dma_wait3A_158 = tpu.memref_slice %arg23[%dma_wait3A_156, %dma_wait3A_157] : memref<320x128xf32, #tpu.memory_space<vmem>> -> memref<128x128xf32, #tpu.memory_space<vmem>>
      %dma_wait3A_159 = arith.constant 0 : i32
      %dma_wait3A_160 = arith.constant 0 : i32
      %dma_wait3A_161 = tpu.memref_slice %arg3[%dma_wait3A_159, %dma_wait3A_160] : memref<250880x128xf32, #tpu.memory_space<hbm>> -> memref<128x128xf32, #tpu.memory_space<hbm>>
      tpu.wait_dma2 semaphore(%arg26 : memref<!tpu.dma_semaphore, #tpu.memory_space<semaphore_mem>>) src(%dma_wait3A_161 : memref<128x128xf32, #tpu.memory_space<hbm>>) dst(%dma_wait3A_158 : memref<128x128xf32, #tpu.memory_space<vmem>>)
      %dma_wait3A_162 = arith.constant 128 : i32
      %dma_wait3A_163 = arith.constant 0 : i32
      %dma_wait3A_164 = tpu.memref_slice %arg23[%dma_wait3A_162, %dma_wait3A_163] : memref<320x128xf32, #tpu.memory_space<vmem>> -> memref<128x128xf32, #tpu.memory_space<vmem>>
      %dma_wait3A_165 = arith.constant 0 : i32
      %dma_wait3A_166 = arith.constant 0 : i32
      %dma_wait3A_167 = tpu.memref_slice %arg3[%dma_wait3A_165, %dma_wait3A_166] : memref<250880x128xf32, #tpu.memory_space<hbm>> -> memref<128x128xf32, #tpu.memory_space<hbm>>
      %dma_wait3A_168 = arith.constant 128 : i32
      %dma_wait3A_169 = arith.constant 0 : i32
      %dma_wait3A_170 = tpu.memref_slice %arg23[%dma_wait3A_168, %dma_wait3A_169] : memref<320x128xf32, #tpu.memory_space<vmem>> -> memref<128x128xf32, #tpu.memory_space<vmem>>
      %dma_wait3A_171 = arith.constant 0 : i32
      %dma_wait3A_172 = arith.constant 0 : i32
      %dma_wait3A_173 = tpu.memref_slice %arg3[%dma_wait3A_171, %dma_wait3A_172] : memref<250880x128xf32, #tpu.memory_space<hbm>> -> memref<128x128xf32, #tpu.memory_space<hbm>>
      tpu.wait_dma2 semaphore(%arg26 : memref<!tpu.dma_semaphore, #tpu.memory_space<semaphore_mem>>) src(%dma_wait3A_173 : memref<128x128xf32, #tpu.memory_space<hbm>>) dst(%dma_wait3A_170 : memref<128x128xf32, #tpu.memory_space<vmem>>)
      %dma_wait3A_174 = arith.constant 256 : i32
      %dma_wait3A_175 = arith.constant 0 : i32
      %dma_wait3A_176 = tpu.memref_slice %arg23[%dma_wait3A_174, %dma_wait3A_175] : memref<320x128xf32, #tpu.memory_space<vmem>> -> memref<64x128xf32, #tpu.memory_space<vmem>>
      %dma_wait3A_177 = arith.constant 0 : i32
      %dma_wait3A_178 = arith.constant 0 : i32
      %dma_wait3A_179 = tpu.memref_slice %arg3[%dma_wait3A_177, %dma_wait3A_178] : memref<250880x128xf32, #tpu.memory_space<hbm>> -> memref<64x128xf32, #tpu.memory_space<hbm>>
      %dma_wait3A_180 = arith.constant 256 : i32
      %dma_wait3A_181 = arith.constant 0 : i32
      %dma_wait3A_182 = tpu.memref_slice %arg23[%dma_wait3A_180, %dma_wait3A_181] : memref<320x128xf32, #tpu.memory_space<vmem>> -> memref<64x128xf32, #tpu.memory_space<vmem>>
      %dma_wait3A_183 = arith.constant 0 : i32
      %dma_wait3A_184 = arith.constant 0 : i32
      %dma_wait3A_185 = tpu.memref_slice %arg3[%dma_wait3A_183, %dma_wait3A_184] : memref<250880x128xf32, #tpu.memory_space<hbm>> -> memref<64x128xf32, #tpu.memory_space<hbm>>
      tpu.wait_dma2 semaphore(%arg26 : memref<!tpu.dma_semaphore, #tpu.memory_space<semaphore_mem>>) src(%dma_wait3A_185 : memref<64x128xf32, #tpu.memory_space<hbm>>) dst(%dma_wait3A_182 : memref<64x128xf32, #tpu.memory_space<vmem>>)
      %mul3A_186 = arith.constant 16 : i32
      %mul3A_187 = arith.muli %add3A_130, %mul3A_186 : i32
      %get3A_188 = arith.index_cast %mul3A_187 : i32 to index
      %get3A_189 = tpu.vector_load %arg15[%get3A_188] {strides = array<i32>} : memref<512xi32, #tpu.memory_space<vmem>>, vector<16xi32>,
      %mul3A_190 = arith.constant 16 : i32
      %mul3A_191 = arith.muli %add3A_130, %mul3A_190 : i32
      %get3A_192 = arith.index_cast %mul3A_191 : i32 to index
      %get3A_193 = tpu.vector_load %arg16[%get3A_192] {strides = array<i32>} : memref<512xi32, #tpu.memory_space<vmem>>, vector<16xi32>,
      %mul3A_194 = arith.constant 16 : i32
      %mul3A_195 = arith.muli %add3A_130, %mul3A_194 : i32
      %add3A_196 = vector.broadcast %mul3A_195 : i32 to vector<16xi32>
      %add3A_197 = arith.addi %add3A_196, %iota3A : vector<16xi32>
      %mul3A_198 = arith.constant 20 : i32
      %mul3A_199 = vector.broadcast %mul3A_198 : i32 to vector<16xi32>
      %mul3A_200 = arith.muli %add3A_197, %mul3A_199 : vector<16xi32>
      %broadcast_in_dim3A_201 = arith.constant 0.000000e+00 : f32
      %broadcast_in_dim3A_202 = vector.broadcast %broadcast_in_dim3A_201 : f32 to vector<16xf32>
      %scan3A_203 = arith.constant 0 : i32
      %scan3A_204 = arith.constant 32 : i32
      %scan3A_205 = arith.addi %scan3A_203, %scan3A_204 : i32
      %scan3A_206 = arith.constant 1 : i32
      %scan3A_207:2 = scf.for %scan3A_220 = %scan3A_203 to %scan3A_205 step %scan3A_206 iter_args(%scan3A_221 = %broadcast_in_dim3A_202, %scan3A_222 = %broadcast_in_dim3A_202) -> (vector<16xf32>, vector<16xf32>)  : i32 {
        %mul3A_223 = arith.constant 1 : i32
        %mul3A_224 = arith.muli %scan3A_220, %mul3A_223 : i32
        %add3A_225 = arith.constant 0 : i32
        %add3A_226 = arith.addi %add3A_225, %mul3A_224 : i32
        %add3A_227 = vector.broadcast %add3A_226 : i32 to vector<16xi32>
        %add3A_228 = arith.addi %get3A_189, %add3A_227 : vector<16xi32>
        %gather3A = tpu.vector_load_idx %arg21[%iota3A, %add3A_228] : memref<16x128xf32, #tpu.memory_space<vmem>>[vector<16xi32>, vector<16xi32>], vector<16xf32>,
        %add3A_229 = vector.broadcast %add3A_226 : i32 to vector<16xi32>
        %add3A_230 = arith.addi %get3A_193, %add3A_229 : vector<16xi32>
        %gather3A_231 = tpu.vector_load_idx %arg22[%iota3A, %add3A_230] : memref<16x128xf32, #tpu.memory_space<vmem>>[vector<16xi32>, vector<16xi32>], vector<16xf32>,
        %broadcast_in_dim3A_232 = arith.constant 0.000000e+00 : f32
        %broadcast_in_dim3A_233 = vector.broadcast %broadcast_in_dim3A_232 : f32 to vector<16xf32>
        %add3A_234 = arith.constant 0 : i32
        %add3A_235 = vector.broadcast %add3A_234 : i32 to vector<16xi32>
        %add3A_236 = arith.addi %mul3A_200, %add3A_235 : vector<16xi32>
        %gather3A_237 = tpu.vector_load_idx %arg17[%add3A_236] : memref<10240xi32, #tpu.memory_space<vmem>>[vector<16xi32>], vector<16xi32>,
        %add3A_238 = arith.constant 0 : i32
        %add3A_239 = vector.broadcast %add3A_238 : i32 to vector<16xi32>
        %add3A_240 = arith.addi %mul3A_3, %add3A_239 : vector<16xi32>
        %add3A_241 = vector.broadcast %add3A_226 : i32 to vector<16xi32>
        %add3A_242 = arith.addi %gather3A_237, %add3A_241 : vector<16xi32>
        %gather3A_243 = tpu.vector_load_idx %arg23[%add3A_240, %add3A_242] : memref<320x128xf32, #tpu.memory_space<vmem>>[vector<16xi32>, vector<16xi32>], vector<16xf32>,
        %add3A_244 = arith.addf %broadcast_in_dim3A_233, %gather3A_243 : vector<16xf32>
        %add3A_245 = arith.constant 1 : i32
        %add3A_246 = vector.broadcast %add3A_245 : i32 to vector<16xi32>
        %add3A_247 = arith.addi %mul3A_200, %add3A_246 : vector<16xi32>
        %gather3A_248 = tpu.vector_load_idx %arg17[%add3A_247] : memref<10240xi32, #tpu.memory_space<vmem>>[vector<16xi32>], vector<16xi32>,
        %add3A_249 = arith.constant 1 : i32
        %add3A_250 = vector.broadcast %add3A_249 : i32 to vector<16xi32>
        %add3A_251 = arith.addi %mul3A_3, %add3A_250 : vector<16xi32>
        %add3A_252 = vector.broadcast %add3A_226 : i32 to vector<16xi32>
        %add3A_253 = arith.addi %gather3A_248, %add3A_252 : vector<16xi32>
        %gather3A_254 = tpu.vector_load_idx %arg23[%add3A_251, %add3A_253] : memref<320x128xf32, #tpu.memory_space<vmem>>[vector<16xi32>, vector<16xi32>], vector<16xf32>,
        %add3A_255 = arith.addf %add3A_244, %gather3A_254 : vector<16xf32>
        %add3A_256 = arith.constant 2 : i32
        %add3A_257 = vector.broadcast %add3A_256 : i32 to vector<16xi32>
        %add3A_258 = arith.addi %mul3A_200, %add3A_257 : vector<16xi32>
        %gather3A_259 = tpu.vector_load_idx %arg17[%add3A_258] : memref<10240xi32, #tpu.memory_space<vmem>>[vector<16xi32>], vector<16xi32>,
        %add3A_260 = arith.constant 2 : i32
        %add3A_261 = vector.broadcast %add3A_260 : i32 to vector<16xi32>
        %add3A_262 = arith.addi %mul3A_3, %add3A_261 : vector<16xi32>
        %add3A_263 = vector.broadcast %add3A_226 : i32 to vector<16xi32>
        %add3A_264 = arith.addi %gather3A_259, %add3A_263 : vector<16xi32>
        %gather3A_265 = tpu.vector_load_idx %arg23[%add3A_262, %add3A_264] : memref<320x128xf32, #tpu.memory_space<vmem>>[vector<16xi32>, vector<16xi32>], vector<16xf32>,
        %add3A_266 = arith.addf %add3A_255, %gather3A_265 : vector<16xf32>
        %add3A_267 = arith.constant 3 : i32
        %add3A_268 = vector.broadcast %add3A_267 : i32 to vector<16xi32>
        %add3A_269 = arith.addi %mul3A_200, %add3A_268 : vector<16xi32>
        %gather3A_270 = tpu.vector_load_idx %arg17[%add3A_269] : memref<10240xi32, #tpu.memory_space<vmem>>[vector<16xi32>], vector<16xi32>,
        %add3A_271 = arith.constant 3 : i32
        %add3A_272 = vector.broadcast %add3A_271 : i32 to vector<16xi32>
        %add3A_273 = arith.addi %mul3A_3, %add3A_272 : vector<16xi32>
        %add3A_274 = vector.broadcast %add3A_226 : i32 to vector<16xi32>
        %add3A_275 = arith.addi %gather3A_270, %add3A_274 : vector<16xi32>
        %gather3A_276 = tpu.vector_load_idx %arg23[%add3A_273, %add3A_275] : memref<320x128xf32, #tpu.memory_space<vmem>>[vector<16xi32>, vector<16xi32>], vector<16xf32>,
        %add3A_277 = arith.addf %add3A_266, %gather3A_276 : vector<16xf32>
        %add3A_278 = arith.constant 4 : i32
        %add3A_279 = vector.broadcast %add3A_278 : i32 to vector<16xi32>
        %add3A_280 = arith.addi %mul3A_200, %add3A_279 : vector<16xi32>
        %gather3A_281 = tpu.vector_load_idx %arg17[%add3A_280] : memref<10240xi32, #tpu.memory_space<vmem>>[vector<16xi32>], vector<16xi32>,
        %add3A_282 = arith.constant 4 : i32
        %add3A_283 = vector.broadcast %add3A_282 : i32 to vector<16xi32>
        %add3A_284 = arith.addi %mul3A_3, %add3A_283 : vector<16xi32>
        %add3A_285 = vector.broadcast %add3A_226 : i32 to vector<16xi32>
        %add3A_286 = arith.addi %gather3A_281, %add3A_285 : vector<16xi32>
        %gather3A_287 = tpu.vector_load_idx %arg23[%add3A_284, %add3A_286] : memref<320x128xf32, #tpu.memory_space<vmem>>[vector<16xi32>, vector<16xi32>], vector<16xf32>,
        %add3A_288 = arith.addf %add3A_277, %gather3A_287 : vector<16xf32>
        %add3A_289 = arith.constant 5 : i32
        %add3A_290 = vector.broadcast %add3A_289 : i32 to vector<16xi32>
        %add3A_291 = arith.addi %mul3A_200, %add3A_290 : vector<16xi32>
        %gather3A_292 = tpu.vector_load_idx %arg17[%add3A_291] : memref<10240xi32, #tpu.memory_space<vmem>>[vector<16xi32>], vector<16xi32>,
        %add3A_293 = arith.constant 5 : i32
        %add3A_294 = vector.broadcast %add3A_293 : i32 to vector<16xi32>
        %add3A_295 = arith.addi %mul3A_3, %add3A_294 : vector<16xi32>
        %add3A_296 = vector.broadcast %add3A_226 : i32 to vector<16xi32>
        %add3A_297 = arith.addi %gather3A_292, %add3A_296 : vector<16xi32>
        %gather3A_298 = tpu.vector_load_idx %arg23[%add3A_295, %add3A_297] : memref<320x128xf32, #tpu.memory_space<vmem>>[vector<16xi32>, vector<16xi32>], vector<16xf32>,
        %add3A_299 = arith.addf %add3A_288, %gather3A_298 : vector<16xf32>
        %add3A_300 = arith.constant 6 : i32
        %add3A_301 = vector.broadcast %add3A_300 : i32 to vector<16xi32>
        %add3A_302 = arith.addi %mul3A_200, %add3A_301 : vector<16xi32>
        %gather3A_303 = tpu.vector_load_idx %arg17[%add3A_302] : memref<10240xi32, #tpu.memory_space<vmem>>[vector<16xi32>], vector<16xi32>,
        %add3A_304 = arith.constant 6 : i32
        %add3A_305 = vector.broadcast %add3A_304 : i32 to vector<16xi32>
        %add3A_306 = arith.addi %mul3A_3, %add3A_305 : vector<16xi32>
        %add3A_307 = vector.broadcast %add3A_226 : i32 to vector<16xi32>
        %add3A_308 = arith.addi %gather3A_303, %add3A_307 : vector<16xi32>
        %gather3A_309 = tpu.vector_load_idx %arg23[%add3A_306, %add3A_308] : memref<320x128xf32, #tpu.memory_space<vmem>>[vector<16xi32>, vector<16xi32>], vector<16xf32>,
        %add3A_310 = arith.addf %add3A_299, %gather3A_309 : vector<16xf32>
        %add3A_311 = arith.constant 7 : i32
        %add3A_312 = vector.broadcast %add3A_311 : i32 to vector<16xi32>
        %add3A_313 = arith.addi %mul3A_200, %add3A_312 : vector<16xi32>
        %gather3A_314 = tpu.vector_load_idx %arg17[%add3A_313] : memref<10240xi32, #tpu.memory_space<vmem>>[vector<16xi32>], vector<16xi32>,
        %add3A_315 = arith.constant 7 : i32
        %add3A_316 = vector.broadcast %add3A_315 : i32 to vector<16xi32>
        %add3A_317 = arith.addi %mul3A_3, %add3A_316 : vector<16xi32>
        %add3A_318 = vector.broadcast %add3A_226 : i32 to vector<16xi32>
        %add3A_319 = arith.addi %gather3A_314, %add3A_318 : vector<16xi32>
        %gather3A_320 = tpu.vector_load_idx %arg23[%add3A_317, %add3A_319] : memref<320x128xf32, #tpu.memory_space<vmem>>[vector<16xi32>, vector<16xi32>], vector<16xf32>,
        %add3A_321 = arith.addf %add3A_310, %gather3A_320 : vector<16xf32>
        %add3A_322 = arith.constant 8 : i32
        %add3A_323 = vector.broadcast %add3A_322 : i32 to vector<16xi32>
        %add3A_324 = arith.addi %mul3A_200, %add3A_323 : vector<16xi32>
        %gather3A_325 = tpu.vector_load_idx %arg17[%add3A_324] : memref<10240xi32, #tpu.memory_space<vmem>>[vector<16xi32>], vector<16xi32>,
        %add3A_326 = arith.constant 8 : i32
        %add3A_327 = vector.broadcast %add3A_326 : i32 to vector<16xi32>
        %add3A_328 = arith.addi %mul3A_3, %add3A_327 : vector<16xi32>
        %add3A_329 = vector.broadcast %add3A_226 : i32 to vector<16xi32>
        %add3A_330 = arith.addi %gather3A_325, %add3A_329 : vector<16xi32>
        %gather3A_331 = tpu.vector_load_idx %arg23[%add3A_328, %add3A_330] : memref<320x128xf32, #tpu.memory_space<vmem>>[vector<16xi32>, vector<16xi32>], vector<16xf32>,
        %add3A_332 = arith.addf %add3A_321, %gather3A_331 : vector<16xf32>
        %add3A_333 = arith.constant 9 : i32
        %add3A_334 = vector.broadcast %add3A_333 : i32 to vector<16xi32>
        %add3A_335 = arith.addi %mul3A_200, %add3A_334 : vector<16xi32>
        %gather3A_336 = tpu.vector_load_idx %arg17[%add3A_335] : memref<10240xi32, #tpu.memory_space<vmem>>[vector<16xi32>], vector<16xi32>,
        %add3A_337 = arith.constant 9 : i32
        %add3A_338 = vector.broadcast %add3A_337 : i32 to vector<16xi32>
        %add3A_339 = arith.addi %mul3A_3, %add3A_338 : vector<16xi32>
        %add3A_340 = vector.broadcast %add3A_226 : i32 to vector<16xi32>
        %add3A_341 = arith.addi %gather3A_336, %add3A_340 : vector<16xi32>
        %gather3A_342 = tpu.vector_load_idx %arg23[%add3A_339, %add3A_341] : memref<320x128xf32, #tpu.memory_space<vmem>>[vector<16xi32>, vector<16xi32>], vector<16xf32>,
        %add3A_343 = arith.addf %add3A_332, %gather3A_342 : vector<16xf32>
        %add3A_344 = arith.constant 10 : i32
        %add3A_345 = vector.broadcast %add3A_344 : i32 to vector<16xi32>
        %add3A_346 = arith.addi %mul3A_200, %add3A_345 : vector<16xi32>
        %gather3A_347 = tpu.vector_load_idx %arg17[%add3A_346] : memref<10240xi32, #tpu.memory_space<vmem>>[vector<16xi32>], vector<16xi32>,
        %add3A_348 = arith.constant 10 : i32
        %add3A_349 = vector.broadcast %add3A_348 : i32 to vector<16xi32>
        %add3A_350 = arith.addi %mul3A_3, %add3A_349 : vector<16xi32>
        %add3A_351 = vector.broadcast %add3A_226 : i32 to vector<16xi32>
        %add3A_352 = arith.addi %gather3A_347, %add3A_351 : vector<16xi32>
        %gather3A_353 = tpu.vector_load_idx %arg23[%add3A_350, %add3A_352] : memref<320x128xf32, #tpu.memory_space<vmem>>[vector<16xi32>, vector<16xi32>], vector<16xf32>,
        %add3A_354 = arith.addf %add3A_343, %gather3A_353 : vector<16xf32>
        %add3A_355 = arith.constant 11 : i32
        %add3A_356 = vector.broadcast %add3A_355 : i32 to vector<16xi32>
        %add3A_357 = arith.addi %mul3A_200, %add3A_356 : vector<16xi32>
        %gather3A_358 = tpu.vector_load_idx %arg17[%add3A_357] : memref<10240xi32, #tpu.memory_space<vmem>>[vector<16xi32>], vector<16xi32>,
        %add3A_359 = arith.constant 11 : i32
        %add3A_360 = vector.broadcast %add3A_359 : i32 to vector<16xi32>
        %add3A_361 = arith.addi %mul3A_3, %add3A_360 : vector<16xi32>
        %add3A_362 = vector.broadcast %add3A_226 : i32 to vector<16xi32>
        %add3A_363 = arith.addi %gather3A_358, %add3A_362 : vector<16xi32>
        %gather3A_364 = tpu.vector_load_idx %arg23[%add3A_361, %add3A_363] : memref<320x128xf32, #tpu.memory_space<vmem>>[vector<16xi32>, vector<16xi32>], vector<16xf32>,
        %add3A_365 = arith.addf %add3A_354, %gather3A_364 : vector<16xf32>
        %add3A_366 = arith.constant 12 : i32
        %add3A_367 = vector.broadcast %add3A_366 : i32 to vector<16xi32>
        %add3A_368 = arith.addi %mul3A_200, %add3A_367 : vector<16xi32>
        %gather3A_369 = tpu.vector_load_idx %arg17[%add3A_368] : memref<10240xi32, #tpu.memory_space<vmem>>[vector<16xi32>], vector<16xi32>,
        %add3A_370 = arith.constant 12 : i32
        %add3A_371 = vector.broadcast %add3A_370 : i32 to vector<16xi32>
        %add3A_372 = arith.addi %mul3A_3, %add3A_371 : vector<16xi32>
        %add3A_373 = vector.broadcast %add3A_226 : i32 to vector<16xi32>
        %add3A_374 = arith.addi %gather3A_369, %add3A_373 : vector<16xi32>
        %gather3A_375 = tpu.vector_load_idx %arg23[%add3A_372, %add3A_374] : memref<320x128xf32, #tpu.memory_space<vmem>>[vector<16xi32>, vector<16xi32>], vector<16xf32>,
        %add3A_376 = arith.addf %add3A_365, %gather3A_375 : vector<16xf32>
        %add3A_377 = arith.constant 13 : i32
        %add3A_378 = vector.broadcast %add3A_377 : i32 to vector<16xi32>
        %add3A_379 = arith.addi %mul3A_200, %add3A_378 : vector<16xi32>
        %gather3A_380 = tpu.vector_load_idx %arg17[%add3A_379] : memref<10240xi32, #tpu.memory_space<vmem>>[vector<16xi32>], vector<16xi32>,
        %add3A_381 = arith.constant 13 : i32
        %add3A_382 = vector.broadcast %add3A_381 : i32 to vector<16xi32>
        %add3A_383 = arith.addi %mul3A_3, %add3A_382 : vector<16xi32>
        %add3A_384 = vector.broadcast %add3A_226 : i32 to vector<16xi32>
        %add3A_385 = arith.addi %gather3A_380, %add3A_384 : vector<16xi32>
        %gather3A_386 = tpu.vector_load_idx %arg23[%add3A_383, %add3A_385] : memref<320x128xf32, #tpu.memory_space<vmem>>[vector<16xi32>, vector<16xi32>], vector<16xf32>,
        %add3A_387 = arith.addf %add3A_376, %gather3A_386 : vector<16xf32>
        %add3A_388 = arith.constant 14 : i32
        %add3A_389 = vector.broadcast %add3A_388 : i32 to vector<16xi32>
        %add3A_390 = arith.addi %mul3A_200, %add3A_389 : vector<16xi32>
        %gather3A_391 = tpu.vector_load_idx %arg17[%add3A_390] : memref<10240xi32, #tpu.memory_space<vmem>>[vector<16xi32>], vector<16xi32>,
        %add3A_392 = arith.constant 14 : i32
        %add3A_393 = vector.broadcast %add3A_392 : i32 to vector<16xi32>
        %add3A_394 = arith.addi %mul3A_3, %add3A_393 : vector<16xi32>
        %add3A_395 = vector.broadcast %add3A_226 : i32 to vector<16xi32>
        %add3A_396 = arith.addi %gather3A_391, %add3A_395 : vector<16xi32>
        %gather3A_397 = tpu.vector_load_idx %arg23[%add3A_394, %add3A_396] : memref<320x128xf32, #tpu.memory_space<vmem>>[vector<16xi32>, vector<16xi32>], vector<16xf32>,
        %add3A_398 = arith.addf %add3A_387, %gather3A_397 : vector<16xf32>
        %add3A_399 = arith.constant 15 : i32
        %add3A_400 = vector.broadcast %add3A_399 : i32 to vector<16xi32>
        %add3A_401 = arith.addi %mul3A_200, %add3A_400 : vector<16xi32>
        %gather3A_402 = tpu.vector_load_idx %arg17[%add3A_401] : memref<10240xi32, #tpu.memory_space<vmem>>[vector<16xi32>], vector<16xi32>,
        %add3A_403 = arith.constant 15 : i32
        %add3A_404 = vector.broadcast %add3A_403 : i32 to vector<16xi32>
        %add3A_405 = arith.addi %mul3A_3, %add3A_404 : vector<16xi32>
        %add3A_406 = vector.broadcast %add3A_226 : i32 to vector<16xi32>
        %add3A_407 = arith.addi %gather3A_402, %add3A_406 : vector<16xi32>
        %gather3A_408 = tpu.vector_load_idx %arg23[%add3A_405, %add3A_407] : memref<320x128xf32, #tpu.memory_space<vmem>>[vector<16xi32>, vector<16xi32>], vector<16xf32>,
        %add3A_409 = arith.addf %add3A_398, %gather3A_408 : vector<16xf32>
        %add3A_410 = arith.constant 16 : i32
        %add3A_411 = vector.broadcast %add3A_410 : i32 to vector<16xi32>
        %add3A_412 = arith.addi %mul3A_200, %add3A_411 : vector<16xi32>
        %gather3A_413 = tpu.vector_load_idx %arg17[%add3A_412] : memref<10240xi32, #tpu.memory_space<vmem>>[vector<16xi32>], vector<16xi32>,
        %add3A_414 = arith.constant 16 : i32
        %add3A_415 = vector.broadcast %add3A_414 : i32 to vector<16xi32>
        %add3A_416 = arith.addi %mul3A_3, %add3A_415 : vector<16xi32>
        %add3A_417 = vector.broadcast %add3A_226 : i32 to vector<16xi32>
        %add3A_418 = arith.addi %gather3A_413, %add3A_417 : vector<16xi32>
        %gather3A_419 = tpu.vector_load_idx %arg23[%add3A_416, %add3A_418] : memref<320x128xf32, #tpu.memory_space<vmem>>[vector<16xi32>, vector<16xi32>], vector<16xf32>,
        %add3A_420 = arith.addf %add3A_409, %gather3A_419 : vector<16xf32>
        %add3A_421 = arith.constant 17 : i32
        %add3A_422 = vector.broadcast %add3A_421 : i32 to vector<16xi32>
        %add3A_423 = arith.addi %mul3A_200, %add3A_422 : vector<16xi32>
        %gather3A_424 = tpu.vector_load_idx %arg17[%add3A_423] : memref<10240xi32, #tpu.memory_space<vmem>>[vector<16xi32>], vector<16xi32>,
        %add3A_425 = arith.constant 17 : i32
        %add3A_426 = vector.broadcast %add3A_425 : i32 to vector<16xi32>
        %add3A_427 = arith.addi %mul3A_3, %add3A_426 : vector<16xi32>
        %add3A_428 = vector.broadcast %add3A_226 : i32 to vector<16xi32>
        %add3A_429 = arith.addi %gather3A_424, %add3A_428 : vector<16xi32>
        %gather3A_430 = tpu.vector_load_idx %arg23[%add3A_427, %add3A_429] : memref<320x128xf32, #tpu.memory_space<vmem>>[vector<16xi32>, vector<16xi32>], vector<16xf32>,
        %add3A_431 = arith.addf %add3A_420, %gather3A_430 : vector<16xf32>
        %add3A_432 = arith.constant 18 : i32
        %add3A_433 = vector.broadcast %add3A_432 : i32 to vector<16xi32>
        %add3A_434 = arith.addi %mul3A_200, %add3A_433 : vector<16xi32>
        %gather3A_435 = tpu.vector_load_idx %arg17[%add3A_434] : memref<10240xi32, #tpu.memory_space<vmem>>[vector<16xi32>], vector<16xi32>,
        %add3A_436 = arith.constant 18 : i32
        %add3A_437 = vector.broadcast %add3A_436 : i32 to vector<16xi32>
        %add3A_438 = arith.addi %mul3A_3, %add3A_437 : vector<16xi32>
        %add3A_439 = vector.broadcast %add3A_226 : i32 to vector<16xi32>
        %add3A_440 = arith.addi %gather3A_435, %add3A_439 : vector<16xi32>
        %gather3A_441 = tpu.vector_load_idx %arg23[%add3A_438, %add3A_440] : memref<320x128xf32, #tpu.memory_space<vmem>>[vector<16xi32>, vector<16xi32>], vector<16xf32>,
        %add3A_442 = arith.addf %add3A_431, %gather3A_441 : vector<16xf32>
        %add3A_443 = arith.constant 19 : i32
        %add3A_444 = vector.broadcast %add3A_443 : i32 to vector<16xi32>
        %add3A_445 = arith.addi %mul3A_200, %add3A_444 : vector<16xi32>
        %gather3A_446 = tpu.vector_load_idx %arg17[%add3A_445] : memref<10240xi32, #tpu.memory_space<vmem>>[vector<16xi32>], vector<16xi32>,
        %add3A_447 = arith.constant 19 : i32
        %add3A_448 = vector.broadcast %add3A_447 : i32 to vector<16xi32>
        %add3A_449 = arith.addi %mul3A_3, %add3A_448 : vector<16xi32>
        %add3A_450 = vector.broadcast %add3A_226 : i32 to vector<16xi32>
        %add3A_451 = arith.addi %gather3A_446, %add3A_450 : vector<16xi32>
        %gather3A_452 = tpu.vector_load_idx %arg23[%add3A_449, %add3A_451] : memref<320x128xf32, #tpu.memory_space<vmem>>[vector<16xi32>, vector<16xi32>], vector<16xf32>,
        %add3A_453 = arith.addf %add3A_442, %gather3A_452 : vector<16xf32>
        %mul3A_454 = arith.mulf %gather3A, %gather3A_231 : vector<16xf32>
        %add3A_455 = arith.addf %scan3A_221, %mul3A_454 : vector<16xf32>
        %mul3A_456 = arith.mulf %gather3A, %add3A_453 : vector<16xf32>
        %add3A_457 = arith.addf %scan3A_222, %mul3A_456 : vector<16xf32>
        scf.yield %add3A_455, %add3A_457 : vector<16xf32>, vector<16xf32>
      }
      %scan3A_208 = arith.constant 32 : i32
      %mul3A_209 = arith.constant 16 : i32
      %mul3A_210 = arith.muli %add3A_130, %mul3A_209 : i32
      %swap3A_211 = arith.index_cast %mul3A_210 : i32 to index
      %swap3A_212 = tpu.vector_load %arg24[%swap3A_211] {strides = array<i32>} : memref<512xf32, #tpu.memory_space<vmem>>, vector<16xf32>,
      tpu.vector_store %arg24[%swap3A_211], %scan3A_207#0 {strides = array<i32>} : memref<512xf32, #tpu.memory_space<vmem>>, vector<16xf32>,
      %neg3A_213 = arith.constant 0.000000e+00 : f32
      %neg3A_214 = vector.broadcast %neg3A_213 : f32 to vector<16xf32>
      %neg3A_215 = arith.subf %neg3A_214, %scan3A_207#1 : vector<16xf32>
      %mul3A_216 = arith.constant 16 : i32
      %mul3A_217 = arith.muli %add3A_130, %mul3A_216 : i32
      %swap3A_218 = arith.index_cast %mul3A_217 : i32 to index
      %swap3A_219 = tpu.vector_load %arg25[%swap3A_218] {strides = array<i32>} : memref<512xf32, #tpu.memory_space<vmem>>, vector<16xf32>,
      tpu.vector_store %arg25[%swap3A_218], %neg3A_215 {strides = array<i32>} : memref<512xf32, #tpu.memory_space<vmem>>, vector<16xf32>,
    }
    %scan3A_40 = arith.constant 16 : i32
    "tpu.region"() ({
      %run_scoped3A = tpu.sem_alloc : memref<!tpu.dma_semaphore, #tpu.memory_space<semaphore_mem>>
      %dma_start3A_41 = arith.constant 0 : i32
      %dma_start3A_42 = tpu.memref_slice %arg10[%add3A, %dma_start3A_41] : memref<32x512xf32, #tpu.memory_space<hbm>> -> memref<1x512xf32, #tpu.memory_space<hbm>>
      %dma_start3A_43 = tpu.memref_squeeze %dma_start3A_42 : memref<1x512xf32, #tpu.memory_space<hbm>> -> memref<512xf32, #tpu.memory_space<hbm>>
      %dma_start3A_44 = arith.constant 0 : i32
      %dma_start3A_45 = tpu.memref_slice %arg10[%add3A, %dma_start3A_44] : memref<32x512xf32, #tpu.memory_space<hbm>> -> memref<1x512xf32, #tpu.memory_space<hbm>>
      %dma_start3A_46 = tpu.memref_squeeze %dma_start3A_45 : memref<1x512xf32, #tpu.memory_space<hbm>> -> memref<512xf32, #tpu.memory_space<hbm>>
      tpu.enqueue_dma source(%arg24 : memref<512xf32, #tpu.memory_space<vmem>>) target(%dma_start3A_46 : memref<512xf32, #tpu.memory_space<hbm>>) target_semaphore(%run_scoped3A : memref<!tpu.dma_semaphore, #tpu.memory_space<semaphore_mem>>)
      %dma_wait3A = arith.constant 0 : i32
      %dma_wait3A_47 = tpu.memref_slice %arg10[%add3A, %dma_wait3A] : memref<32x512xf32, #tpu.memory_space<hbm>> -> memref<1x512xf32, #tpu.memory_space<hbm>>
      %dma_wait3A_48 = tpu.memref_squeeze %dma_wait3A_47 : memref<1x512xf32, #tpu.memory_space<hbm>> -> memref<512xf32, #tpu.memory_space<hbm>>
      %dma_wait3A_49 = arith.constant 0 : i32
      %dma_wait3A_50 = tpu.memref_slice %arg10[%add3A, %dma_wait3A_49] : memref<32x512xf32, #tpu.memory_space<hbm>> -> memref<1x512xf32, #tpu.memory_space<hbm>>
      %dma_wait3A_51 = tpu.memref_squeeze %dma_wait3A_50 : memref<1x512xf32, #tpu.memory_space<hbm>> -> memref<512xf32, #tpu.memory_space<hbm>>
      tpu.wait_dma2 semaphore(%run_scoped3A : memref<!tpu.dma_semaphore, #tpu.memory_space<semaphore_mem>>) src(%arg24 : memref<512xf32, #tpu.memory_space<vmem>>) dst(%dma_wait3A_51 : memref<512xf32, #tpu.memory_space<hbm>>)
      tpu.yield
    }) : () -> ()
    "tpu.region"() ({
      %run_scoped3A = tpu.sem_alloc : memref<!tpu.dma_semaphore, #tpu.memory_space<semaphore_mem>>
      %dma_start3A_41 = arith.constant 0 : i32
      %dma_start3A_42 = tpu.memref_slice %arg11[%add3A, %dma_start3A_41] : memref<32x512xf32, #tpu.memory_space<hbm>> -> memref<1x512xf32, #tpu.memory_space<hbm>>
      %dma_start3A_43 = tpu.memref_squeeze %dma_start3A_42 : memref<1x512xf32, #tpu.memory_space<hbm>> -> memref<512xf32, #tpu.memory_space<hbm>>
      %dma_start3A_44 = arith.constant 0 : i32
      %dma_start3A_45 = tpu.memref_slice %arg11[%add3A, %dma_start3A_44] : memref<32x512xf32, #tpu.memory_space<hbm>> -> memref<1x512xf32, #tpu.memory_space<hbm>>
      %dma_start3A_46 = tpu.memref_squeeze %dma_start3A_45 : memref<1x512xf32, #tpu.memory_space<hbm>> -> memref<512xf32, #tpu.memory_space<hbm>>
      tpu.enqueue_dma source(%arg25 : memref<512xf32, #tpu.memory_space<vmem>>) target(%dma_start3A_46 : memref<512xf32, #tpu.memory_space<hbm>>) target_semaphore(%run_scoped3A : memref<!tpu.dma_semaphore, #tpu.memory_space<semaphore_mem>>)
      %dma_wait3A = arith.constant 0 : i32
      %dma_wait3A_47 = tpu.memref_slice %arg11[%add3A, %dma_wait3A] : memref<32x512xf32, #tpu.memory_space<hbm>> -> memref<1x512xf32, #tpu.memory_space<hbm>>
      %dma_wait3A_48 = tpu.memref_squeeze %dma_wait3A_47 : memref<1x512xf32, #tpu.memory_space<hbm>> -> memref<512xf32, #tpu.memory_space<hbm>>
      %dma_wait3A_49 = arith.constant 0 : i32
      %dma_wait3A_50 = tpu.memref_slice %arg11[%add3A, %dma_wait3A_49] : memref<32x512xf32, #tpu.memory_space<hbm>> -> memref<1x512xf32, #tpu.memory_space<hbm>>
      %dma_wait3A_51 = tpu.memref_squeeze %dma_wait3A_50 : memref<1x512xf32, #tpu.memory_space<hbm>> -> memref<512xf32, #tpu.memory_space<hbm>>
      tpu.wait_dma2 semaphore(%run_scoped3A : memref<!tpu.dma_semaphore, #tpu.memory_space<semaphore_mem>>) src(%arg25 : memref<512xf32, #tpu.memory_space<vmem>>) dst(%dma_wait3A_51 : memref<512xf32, #tpu.memory_space<hbm>>)
      tpu.yield
    }) : () -> ()
    return
  }
}

module attributes {stable_mosaic.version = 14 : i64} {
  func.func @_pack_body(%arg0: i32, %arg1: memref<32x5120xf32, #tpu.memory_space<vmem>>, %arg2: memref<32x5120xf32, #tpu.memory_space<vmem>>, %arg3: memref<32x5120xf32, #tpu.memory_space<vmem>>, %arg4: memref<32x5120xf32, #tpu.memory_space<vmem>>, %arg5: memref<32x5120xf32, #tpu.memory_space<vmem>>, %arg6: memref<32x5120xf32, #tpu.memory_space<vmem>>, %arg7: memref<32x5120xf32, #tpu.memory_space<vmem>>, %arg8: memref<32x5120xf32, #tpu.memory_space<vmem>>, %arg9: memref<5120x128xf32, #tpu.memory_space<vmem>>, %arg10: memref<5120x128xf32, #tpu.memory_space<vmem>>) attributes {dimension_semantics = [#tpu.dimension_semantics<arbitrary>], iteration_bounds = array<i64: 49>, scalar_prefetch = 0 : i64, scratch_operands = 0 : i64, tpu.core_type = #tpu.core_type<tc>, window_params = [{transform_indices = @transform_0, window_bounds = array<i64: 32, 5120>}, {transform_indices = @transform_1, window_bounds = array<i64: 32, 5120>}, {transform_indices = @transform_2, window_bounds = array<i64: 32, 5120>}, {transform_indices = @transform_3, window_bounds = array<i64: 32, 5120>}, {transform_indices = @transform_4, window_bounds = array<i64: 32, 5120>}, {transform_indices = @transform_5, window_bounds = array<i64: 32, 5120>}, {transform_indices = @transform_6, window_bounds = array<i64: 32, 5120>}, {transform_indices = @transform_7, window_bounds = array<i64: 32, 5120>}, {transform_indices = @transform_8, window_bounds = array<i64: 5120, 128>}, {transform_indices = @transform_9, window_bounds = array<i64: 5120, 128>}]} {
    %get3A = arith.constant 0 : index
    %get3A_0 = arith.constant 0 : index
    %get3A_1 = vector.load %arg1[%get3A, %get3A_0] : memref<32x5120xf32, #tpu.memory_space<vmem>>, vector<32x5120xf32>
    %get3A_2 = arith.constant 0 : index
    %get3A_3 = arith.constant 0 : index
    %get3A_4 = vector.load %arg2[%get3A_2, %get3A_3] : memref<32x5120xf32, #tpu.memory_space<vmem>>, vector<32x5120xf32>
    %get3A_5 = arith.constant 0 : index
    %get3A_6 = arith.constant 0 : index
    %get3A_7 = vector.load %arg3[%get3A_5, %get3A_6] : memref<32x5120xf32, #tpu.memory_space<vmem>>, vector<32x5120xf32>
    %get3A_8 = arith.constant 0 : index
    %get3A_9 = arith.constant 0 : index
    %get3A_10 = vector.load %arg4[%get3A_8, %get3A_9] : memref<32x5120xf32, #tpu.memory_space<vmem>>, vector<32x5120xf32>
    %concatenate3A = tpu.concatenate %get3A_1, %get3A_4, %get3A_7, %get3A_10 in 0 : vector<32x5120xf32>, vector<32x5120xf32>, vector<32x5120xf32>, vector<32x5120xf32> -> vector<128x5120xf32>
    %transpose3A = tpu.transpose %concatenate3A, [1, 0] : vector<128x5120xf32> -> vector<5120x128xf32>
    %swap3A = arith.constant 0 : index
    %swap3A_11 = arith.constant 0 : index
    %swap3A_12 = vector.load %arg9[%swap3A, %swap3A_11] : memref<5120x128xf32, #tpu.memory_space<vmem>>, vector<5120x128xf32>
    tpu.vector_store %arg9[%swap3A, %swap3A_11], %transpose3A {strides = array<i32>} : memref<5120x128xf32, #tpu.memory_space<vmem>>, vector<5120x128xf32>,
    %get3A_13 = arith.constant 0 : index
    %get3A_14 = arith.constant 0 : index
    %get3A_15 = vector.load %arg5[%get3A_13, %get3A_14] : memref<32x5120xf32, #tpu.memory_space<vmem>>, vector<32x5120xf32>
    %get3A_16 = arith.constant 0 : index
    %get3A_17 = arith.constant 0 : index
    %get3A_18 = vector.load %arg6[%get3A_16, %get3A_17] : memref<32x5120xf32, #tpu.memory_space<vmem>>, vector<32x5120xf32>
    %get3A_19 = arith.constant 0 : index
    %get3A_20 = arith.constant 0 : index
    %get3A_21 = vector.load %arg7[%get3A_19, %get3A_20] : memref<32x5120xf32, #tpu.memory_space<vmem>>, vector<32x5120xf32>
    %get3A_22 = arith.constant 0 : index
    %get3A_23 = arith.constant 0 : index
    %get3A_24 = vector.load %arg8[%get3A_22, %get3A_23] : memref<32x5120xf32, #tpu.memory_space<vmem>>, vector<32x5120xf32>
    %concatenate3A_25 = tpu.concatenate %get3A_15, %get3A_18, %get3A_21, %get3A_24 in 0 : vector<32x5120xf32>, vector<32x5120xf32>, vector<32x5120xf32>, vector<32x5120xf32> -> vector<128x5120xf32>
    %transpose3A_26 = tpu.transpose %concatenate3A_25, [1, 0] : vector<128x5120xf32> -> vector<5120x128xf32>
    %swap3A_27 = arith.constant 0 : index
    %swap3A_28 = arith.constant 0 : index
    %swap3A_29 = vector.load %arg10[%swap3A_27, %swap3A_28] : memref<5120x128xf32, #tpu.memory_space<vmem>>, vector<5120x128xf32>
    tpu.vector_store %arg10[%swap3A_27, %swap3A_28], %transpose3A_26 {strides = array<i32>} : memref<5120x128xf32, #tpu.memory_space<vmem>>, vector<5120x128xf32>,
    return
  }
  func.func @transform_0(%arg0: i32) -> (i32, i32) {
    %add3A = arith.constant 0 : i32
    %add3A_0 = arith.addi %add3A, %arg0 : i32
    %min3A = arith.constant 195 : i32
    %min3A_1 = arith.minsi %add3A_0, %min3A : i32
    %c0_i32 = arith.constant 0 : i32
    %c0_i32_2 = arith.constant 0 : i32
    return %c0_i32, %min3A_1 : i32, i32
  }
  func.func @transform_1(%arg0: i32) -> (i32, i32) {
    %add3A = arith.constant 49 : i32
    %add3A_0 = arith.addi %add3A, %arg0 : i32
    %min3A = arith.constant 195 : i32
    %min3A_1 = arith.minsi %add3A_0, %min3A : i32
    %c0_i32 = arith.constant 0 : i32
    %c0_i32_2 = arith.constant 0 : i32
    return %c0_i32, %min3A_1 : i32, i32
  }
  func.func @transform_2(%arg0: i32) -> (i32, i32) {
    %add3A = arith.constant 98 : i32
    %add3A_0 = arith.addi %add3A, %arg0 : i32
    %min3A = arith.constant 195 : i32
    %min3A_1 = arith.minsi %add3A_0, %min3A : i32
    %c0_i32 = arith.constant 0 : i32
    %c0_i32_2 = arith.constant 0 : i32
    return %c0_i32, %min3A_1 : i32, i32
  }
  func.func @transform_3(%arg0: i32) -> (i32, i32) {
    %add3A = arith.constant 147 : i32
    %add3A_0 = arith.addi %add3A, %arg0 : i32
    %min3A = arith.constant 195 : i32
    %min3A_1 = arith.minsi %add3A_0, %min3A : i32
    %c0_i32 = arith.constant 0 : i32
    %c0_i32_2 = arith.constant 0 : i32
    return %c0_i32, %min3A_1 : i32, i32
  }
  func.func @transform_4(%arg0: i32) -> (i32, i32) {
    %add3A = arith.constant 0 : i32
    %add3A_0 = arith.addi %add3A, %arg0 : i32
    %min3A = arith.constant 195 : i32
    %min3A_1 = arith.minsi %add3A_0, %min3A : i32
    %c0_i32 = arith.constant 0 : i32
    %c0_i32_2 = arith.constant 0 : i32
    return %c0_i32, %min3A_1 : i32, i32
  }
  func.func @transform_5(%arg0: i32) -> (i32, i32) {
    %add3A = arith.constant 49 : i32
    %add3A_0 = arith.addi %add3A, %arg0 : i32
    %min3A = arith.constant 195 : i32
    %min3A_1 = arith.minsi %add3A_0, %min3A : i32
    %c0_i32 = arith.constant 0 : i32
    %c0_i32_2 = arith.constant 0 : i32
    return %c0_i32, %min3A_1 : i32, i32
  }
  func.func @transform_6(%arg0: i32) -> (i32, i32) {
    %add3A = arith.constant 98 : i32
    %add3A_0 = arith.addi %add3A, %arg0 : i32
    %min3A = arith.constant 195 : i32
    %min3A_1 = arith.minsi %add3A_0, %min3A : i32
    %c0_i32 = arith.constant 0 : i32
    %c0_i32_2 = arith.constant 0 : i32
    return %c0_i32, %min3A_1 : i32, i32
  }
  func.func @transform_7(%arg0: i32) -> (i32, i32) {
    %add3A = arith.constant 147 : i32
    %add3A_0 = arith.addi %add3A, %arg0 : i32
    %min3A = arith.constant 195 : i32
    %min3A_1 = arith.minsi %add3A_0, %min3A : i32
    %c0_i32 = arith.constant 0 : i32
    %c0_i32_2 = arith.constant 0 : i32
    return %c0_i32, %min3A_1 : i32, i32
  }
  func.func @transform_8(%arg0: i32) -> (i32, i32) {
    %c0_i32 = arith.constant 0 : i32
    %c0_i32_0 = arith.constant 0 : i32
    return %arg0, %c0_i32 : i32, i32
  }
  func.func @transform_9(%arg0: i32) -> (i32, i32) {
    %c0_i32 = arith.constant 0 : i32
    %c0_i32_0 = arith.constant 0 : i32
    return %arg0, %c0_i32 : i32, i32
  }
}

module attributes {stable_mosaic.version = 14 : i64} {
  func.func @_loss_body(%arg0: memref<128x128xf32, #tpu.memory_space<vmem>>, %arg1: memref<128x128xf32, #tpu.memory_space<vmem>>, %arg2: memref<1x1xf32, #tpu.memory_space<smem>>) attributes {dimension_semantics = [], scalar_prefetch = 0 : i64, scratch_operands = 0 : i64, tpu.core_type = #tpu.core_type<tc>} {
    %get3A = arith.constant 0 : index
    %get3A_0 = arith.constant 0 : index
    %get3A_1 = vector.load %arg0[%get3A, %get3A_0] : memref<128x128xf32, #tpu.memory_space<vmem>>, vector<128x128xf32>
    %min3A = arith.constant 0.000000e+00 : f32
    %min3A_2 = vector.broadcast %min3A : f32 to vector<128x128xf32>
    %min3A_3 = arith.minimumf %get3A_1, %min3A_2 : vector<128x128xf32>
    %abs3A = math.absf %get3A_1 : vector<128x128xf32>
    %neg3A = arith.constant 0.000000e+00 : f32
    %neg3A_4 = vector.broadcast %neg3A : f32 to vector<128x128xf32>
    %neg3A_5 = arith.subf %neg3A_4, %abs3A : vector<128x128xf32>
    %exp3A = math.exp %neg3A_5 : vector<128x128xf32>
    %log1p3A = math.log1p %exp3A : vector<128x128xf32>
    %sub3A = arith.subf %min3A_3, %log1p3A : vector<128x128xf32>
    %reduce_sum3A = vector.shape_cast %sub3A : vector<128x128xf32> to vector<1x128x128xf32>
    %reduce_sum3A_6 = arith.constant dense<0.000000e+00> : vector<1xf32>
    %reduce_sum3A_7 = vector.multi_reduction <add>, %reduce_sum3A, %reduce_sum3A_6 [1, 2] : vector<1x128x128xf32> to vector<1xf32>
    %reduce_sum3A_8 = vector.shape_cast %reduce_sum3A_7 : vector<1xf32> to vector<1x1x1xf32>
    %reduce_sum3A_9 = vector.extract %reduce_sum3A_8[0, 0, 0] : f32 from vector<1x1x1xf32>
    %get3A_10 = arith.constant 0 : index
    %get3A_11 = arith.constant 0 : index
    %get3A_12 = vector.load %arg1[%get3A_10, %get3A_11] : memref<128x128xf32, #tpu.memory_space<vmem>>, vector<128x128xf32>
    %min3A_13 = arith.constant 0.000000e+00 : f32
    %min3A_14 = vector.broadcast %min3A_13 : f32 to vector<128x128xf32>
    %min3A_15 = arith.minimumf %get3A_12, %min3A_14 : vector<128x128xf32>
    %abs3A_16 = math.absf %get3A_12 : vector<128x128xf32>
    %neg3A_17 = arith.constant 0.000000e+00 : f32
    %neg3A_18 = vector.broadcast %neg3A_17 : f32 to vector<128x128xf32>
    %neg3A_19 = arith.subf %neg3A_18, %abs3A_16 : vector<128x128xf32>
    %exp3A_20 = math.exp %neg3A_19 : vector<128x128xf32>
    %log1p3A_21 = math.log1p %exp3A_20 : vector<128x128xf32>
    %sub3A_22 = arith.subf %min3A_15, %log1p3A_21 : vector<128x128xf32>
    %reduce_sum3A_23 = vector.shape_cast %sub3A_22 : vector<128x128xf32> to vector<1x128x128xf32>
    %reduce_sum3A_24 = arith.constant dense<0.000000e+00> : vector<1xf32>
    %reduce_sum3A_25 = vector.multi_reduction <add>, %reduce_sum3A_23, %reduce_sum3A_24 [1, 2] : vector<1x128x128xf32> to vector<1xf32>
    %reduce_sum3A_26 = vector.shape_cast %reduce_sum3A_25 : vector<1xf32> to vector<1x1x1xf32>
    %reduce_sum3A_27 = vector.extract %reduce_sum3A_26[0, 0, 0] : f32 from vector<1x1x1xf32>
    %add3A = arith.addf %reduce_sum3A_9, %reduce_sum3A_27 : f32
    %neg3A_28 = arith.constant 0.000000e+00 : f32
    %neg3A_29 = arith.subf %neg3A_28, %add3A : f32
    %div3A = arith.constant 1.638400e+04 : f32
    %div3A_30 = arith.divf %neg3A_29, %div3A : f32
    %swap3A = arith.constant 0 : index
    %swap3A_31 = arith.constant 0 : index
    %swap3A_32 = memref.load %arg2[%swap3A, %swap3A_31] : memref<1x1xf32, #tpu.memory_space<smem>>
    memref.store %div3A_30, %arg2[%swap3A, %swap3A_31] : memref<1x1xf32, #tpu.memory_space<smem>>
    return
  }
}

</mosaic_0001>

<sc_bundles>
// kernel: kernel.5.cloned.1.call-start
scs
__scs_entry_jumppad:
0x0: {  	(pc) =	sbr.rel $0x88, $3  }
0x1: {  	(tag) =	ssettag $0x0;
	lr =	simm.s32 $0x1  }
0x2: {  	[smem:$0x3F9C] =	sst lr;
	_ =	strace $0xD0000000  }
0x3: {  	_ = 	snop  }
0x4: {  	_ = 	snop  }
0x5: {  	_ = 	snop  }
0x6: {  	_ = 	snop  }
0x7: {  	_ = 	snop  }
__scs_overlays_trampoline_lowered:
0x8: {  	[smem:$0x3FAB] =	sst s0  }
0x9: {  	[smem:$0x3FAC] =	sst s1  }
0xa: {  	[smem:$0x3FAD] =	sst s2  }
0xb: {  	[smem:$0x3FAE] =	sst s3  }
0xc: {  	[smem:$0x3FAF] =	sst s4  }
0xd: {  	[smem:$0x3FB0] =	sst s5  }
0xe: {  	[smem:$0x3FB1] =	sst s6  }
0xf: {  	[smem:$0x3FB2] =	sst s7  }
0x10: {  	[smem:$0x3FB3] =	sst s8  }
0x11: {  	[smem:$0x3FB4] =	sst s9;
	s0 =	simm.s32 @!p0 $0x0  }
0x12: {  	s1 =	sld [smem:$0x3F9A];
	s0 =	simm.s32 @p0 $0x1  }
0x13: {  	[smem:$0x3FB5] =	sst s0;
	s0 =	simm.s32 @!p1 $0x0  }
0x14: {  	s2 =	sld [smem:$0x3F99];
	s0 =	simm.s32 @p1 $0x1  }
0x15: {  	[smem:$0x3FB6] =	sst s0;
	s0 =	simm.s32 @!p2 $0x0  }
0x16: {  	s3 =	sld [smem:$0x3FDB];
	s0 =	simm.s32 @p2 $0x1  }
0x17: {  	s4 =	simm.s32 $0x1BF5;
	[smem:$0x3FB8] =	sst s0  }
0x18: {  	s0 =	sld [smem:$0x3F9B];
	_ =	swait.ge [sflag:s4], $0x0  }
0x19: {  	s7 =	sld [smem:$0x3F9C]  }
0x1a: {  	s8 =	sadd.s32 $0xFFFFE003, lr  }
0x1b: {  	s9 =	sadd.s32 $0xFFFFFEF7, lr;
	s5 =	simm.s32 $0xFFFFFFFF;
	p2 =	slt.u32 s8, $0xFFFFF086  }
0x1c: {  	p1 =	slt.u32 s9, $0xF7A;
	s5 =	simm.s32 @!p2 $0x0  }
0x1d: {  	s5 =	simm.s32 @p1 $0x1;
	p0 =	seq.s32 s7, s2  }
0x1e: {  	s7 =	smul.u32 @!p0 $0xF7A, s2;
	p2 =	seq.s32 @!p0 s5, $0x0  }
0x1f: {  	s9 =	smul.u32 $0xF7A, s1;
	s8 =	simm.s32 @!p0 $0x1BF5;
	p2 =	por !p2, p0  }
0x20: {  	[sflag:s8] =	ssyncset.s32 @!p0 $0xFFFFF086;
	s6 =	sadd.s32 @!p0 s3, s7;
	s7 =	simm.s32 @!p0 $0x108  }
0x21: {  	s3 =	sadd.s32 s3, s9;
	s6 =	sadd.s32 @!p0 $0x88, s6;
	s7 =	simm.s32 @p2 $0x1082  }
0x22: {  	[simem:s7], [sflag:s8] =	dma.local @!p0 [hbm:s6], $0xF7A  }
0x23: {  	s9 =	sor.u32 $0xD0000000, s2;
	s6 =	simm.s32 $0x108;
	_ =	swait.ge @!p0 [sflag:s8], $0x0  }
0x24: {  	s3 =	sadd.s32 $0x88, s3;
	s6 =	simm.s32 @!p1 $0x1082;
	[sflag:s4] =	ssyncset.s32 $0xFFFFF086  }
0x25: {  	[simem:s6], [sflag:s4] =	dma.local [hbm:s3], $0xF7A  }
0x26: {  	[smem:$0x3F9C] =	sst s1;
	(tag) =	ssettag s2;
	_ =	strace s9  }
0x27: {  	s1 =	sld [smem:$0x3FAC]  }
0x28: {  	s2 =	sld [smem:$0x3FAD]  }
0x29: {  	s4 =	sld [smem:$0x3FAF]  }
0x2a: {  	p0 =	seq.s32 s5, $0x0;
	s5 =	sld [smem:$0x3FB0]  }
0x2b: {  	s6 =	sld [smem:$0x3FB1]  }
0x2c: {  	s7 =	sld [smem:$0x3FB2]  }
0x2d: {  	s3 =	simm.s32 $0x108;
	s8 =	sld [smem:$0x3FB3]  }
0x2e: {  	s3 =	simm.s32 @!p0 $0x1082;
	s9 =	sld [smem:$0x3FB4]  }
0x2f: {  	lr =	sadd.s32 s0, s3;
	s0 =	sld [smem:$0x3FAB]  }
0x30: {  	s3 =	sld [smem:$0x3FAE]  }
0x31: {  	[smem:$0x3FB7] =	sst s10  }
0x32: {  	s10 =	sld [smem:$0x3FB5];
	_ =	sdelay $0x3  }
0x33: {  	p0 =	seq.s32 s10, $0x1;
	s10 =	sld [smem:$0x3FB7];
	_ =	sdelay $0x3  }
0x34: {  	[smem:$0x3FB7] =	sst s10  }
0x35: {  	s10 =	sld [smem:$0x3FB6];
	_ =	sdelay $0x3  }
0x36: {  	p1 =	seq.s32 s10, $0x1;
	s10 =	sld [smem:$0x3FB7];
	_ =	sdelay $0x3  }
0x37: {  	[smem:$0x3FB7] =	sst s10  }
0x38: {  	s10 =	sld [smem:$0x3FB8]  }
0x39: {  	_ = 	snop;
	(pc) =	sbr.ind lr, $3  }
0x3a: {  	_ = 	snop  }
0x3b: {  	_ = 	snop  }
0x3c: {  	p2 =	seq.s32 s10, $0x1;
	s10 =	sld [smem:$0x3FB7]  }
0x3d: {  	_ =	shalt  }
0x3e: {  	_ =	shalt  }
0x3f: {  	_ =	shalt  }
0x40: {  	_ =	shalt  }
0x41: {  	_ =	shalt  }
0x42: {  	_ =	shalt  }
0x43: {  	_ =	shalt  }
0x44: {  	_ =	shalt  }
0x45: {  	_ =	shalt  }
0x46: {  	_ =	shalt  }
0x47: {  	_ =	shalt  }
0x48: {  	_ =	shalt  }
0x49: {  	_ =	shalt  }
0x4a: {  	_ =	shalt  }
0x4b: {  	_ =	shalt  }
0x4c: {  	_ =	shalt  }
0x4d: {  	_ =	shalt  }
0x4e: {  	_ =	shalt  }
0x4f: {  	_ =	shalt  }
0x50: {  	_ =	shalt  }
0x51: {  	_ =	shalt  }
0x52: {  	_ =	shalt  }
0x53: {  	_ =	shalt  }
0x54: {  	_ =	shalt  }
0x55: {  	_ =	shalt  }
0x56: {  	_ =	shalt  }
0x57: {  	_ =	shalt  }
0x58: {  	_ =	shalt  }
0x59: {  	_ =	shalt  }
0x5a: {  	_ =	shalt  }
0x5b: {  	_ =	shalt  }
0x5c: {  	_ =	shalt  }
0x5d: {  	_ =	shalt  }
0x5e: {  	_ =	shalt  }
0x5f: {  	_ =	shalt  }
0x60: {  	_ =	shalt  }
0x61: {  	_ =	shalt  }
0x62: {  	_ =	shalt  }
0x63: {  	_ =	shalt  }
0x64: {  	_ =	shalt  }
0x65: {  	_ =	shalt  }
0x66: {  	_ =	shalt  }
0x67: {  	_ =	shalt  }
0x68: {  	_ =	shalt  }
0x69: {  	_ =	shalt  }
0x6a: {  	_ =	shalt  }
0x6b: {  	_ =	shalt  }
0x6c: {  	_ =	shalt  }
0x6d: {  	_ =	shalt  }
0x6e: {  	_ =	shalt  }
0x6f: {  	_ =	shalt  }
0x70: {  	_ =	shalt  }
0x71: {  	_ =	shalt  }
0x72: {  	_ =	shalt  }
0x73: {  	_ =	shalt  }
0x74: {  	_ =	shalt  }
0x75: {  	_ =	shalt  }
0x76: {  	_ =	shalt  }
0x77: {  	_ =	shalt  }
0x78: {  	_ =	shalt  }
0x79: {  	_ =	shalt  }
0x7a: {  	_ =	shalt  }
0x7b: {  	_ =	shalt  }
0x7c: {  	_ =	shalt  }
0x7d: {  	_ =	shalt  }
0x7e: {  	_ =	shalt  }
0x7f: {  	_ =	shalt  }
0x80: {  	_ =	shalt  }
0x81: {  	_ =	shalt  }
0x82: {  	_ =	shalt  }
0x83: {  	_ =	shalt  }
0x84: {  	_ =	shalt  }
0x85: {  	_ =	shalt  }
0x86: {  	_ =	shalt  }
0x87: {  	_ =	shalt  }
.Lfunc_end0:
.L_simem_size_0:
called_computation_lowered:
.L_overlay_start_0:
0x88: {  	s2 =	sld [smem:$0x3FD9]  }
0x89: {  	s3 =	sld [smem:$0x3FFE];
	_ =	sdelay $0x1  }
0x8a: {  	s1 =	srdreg.scid  }
0x8b: {  	s0 =	sand.u32 $0x1, s1  }
0x8c: {  	s16 =	sshll.u32 s0, $0xA;
	s2 =	sadd.s32 s3, s2  }
0x8d: {  	s2 =	sadd.s32 s2, s16  }
0x8e: {  	[smem:$0x3FC3] =	sst s2  }
0x8f: {  	_ = 	snop  }
0x90: {  	(tm) =	ssettm $0x1  }
0x91: {  	s17 =	sld [smem:$0x3FFB];
	_ =	sdelay $0x3  }
0x92: {  	_ =	strace s17  }
0x93: {  	s2 =	sld [smem:$0x3FFC];
	_ =	sdelay $0x3  }
0x94: {  	_ =	strace s2  }
0x95: {  	s2 =	sld [smem:$0x3FFD];
	_ =	sdelay $0x3  }
0x96: {  	_ =	strace s2  }
0x97: {  	_ =	strace $0x8FFFFFFF  }
0x98: {  	s18 =	sld [smem:$0x3FDB];
	_ =	sdelay $0x1  }
0x99: {  	s19 =	simm.s32 $_scs_section_size  }
0x9a: {  	s4 =	simm.s32 $_size__tile_overlayer_lowered;
	s5 =	simm.s32 $_tile_overlayer_lowered  }
0x9b: {  	s22 =	simm.s32 $0x1BFF;
	s21 =	sshll.u32 s5, $0x1;
	s2 =	sadd.s32 s19, s18  }
0x9c: {  	s6 =	simm.s32 $0x0;
	s20 =	sshll.u32 s4, $0x1;
	s4 =	sadd.s32 s21, s2  }
0x9d: {  	[timem:s6], [sflag:s22] =	dma.local [hbm:s4], s20  }
0x9e: {  	_ =	swait.ge [sflag:s22], s20  }
0x9f: {  	s3 =	ssub.s32 $0x0, s20;
	[sflag:s22] =	ssyncset.done $0x0  }
0xa0: {  	[sflag:s22] =	ssyncadd.s32 s3;
	_ =	sdelay $0x1  }
0xa1: {  	s23 =	simm.s32 $0x1B8B  }
0xa2: {  	_ =	swait.ge [sflag:s23], $0x1  }
0xa3: {  	[sflag:s23] =	ssyncset.done $0x0  }
0xa4: {  	s25 =	simm.s32 $0x1B8E;
	s24 =	sld [smem:$0x3FFE];
	[sflag:s23] =	ssyncadd.s32 $0xFFFFFFFF  }
0xa5: {  	s26 =	simm.s32 $execute0_lowered;
	[smem:$0x3FD2] =	sst s25  }
0xa6: {  	s4 =	sshll.u32 s26, $0x1;
	_ =	strace $0x80000046;
	[dreg:$0x1] =	wrdreg $0xFFFFFFFF  }
0xa7: {  	s28 =	simm.s32 $_size_execute0_lowered;
	s2 =	sadd.s32 s2, s4;
	[dreg:$0x0] =	wrdreg $0x0  }
0xa8: {  	s4 =	sshll.u32 s28, $0x1;
	[dreg:$0x2] =	wrdreg s2  }
0xa9: {  	[dreg:$0x3] =	wrdreg s4  }
0xaa: {  	[dreg:$0x4] =	wrdreg $0xC0  }
0xab: {  	_ =	task [dreg:s6], $0x5FFFF  }
0xac: {  	[dreg:$0x1] =	wrdreg $0xFFFFFFFF  }
0xad: {  	[dreg:$0x0] =	wrdreg $0x60  }
0xae: {  	[dreg:$0x2] =	wrdreg s24  }
0xaf: {  	[dreg:$0x3] =	wrdreg $0x9  }
0xb0: {  	_ =	task.clear_ibuf [dreg:s6], $0x4FFFF;
	_ =	strace $0x90000046  }
0xb1: {  	s29 =	simm.s32 $0x9;
	_ =	strace $0x80000048  }
0xb2: {  	_ =	swait.ge [sflag:s29], $0x1  }
0xb3: {  	[sflag:s29] =	ssyncadd.s32 $0xFFFFFFFF  }
0xb4: {  	_ =	strace $0x90000048  }
0xb5: {  	_ =	sfence  }
0xb6: {  	s30 =	sld [smem:$0x0];
	_ =	sdelay $0x2  }
0xb7: {  	s31 =	sshll.u32 s1, $0xD;
	s1 =	sshrl.u32 s1, $0x2  }
0xb8: {  	s3 =	sand.u32 $0x4000, s31;
	s1 =	sadd.s32 s1, s30  }
0xb9: {  	s0 =	sor.u32 s3, s0;
	s1 =	sshll.u32 s1, $0x11  }
0xba: {  	s0 =	sor.u32 s1, s0  }
0xbb: {  	s0 =	sadd.s32 $0x8F2B, s0  }
0xbc: {  	[sflag:s0] =	ssyncadd.remote.s32 $0x1  }
0xbd: {  	_ =	sfence.sel $0xFFFF  }
0xbe: {  	[dreg:$0x0] =	wrdreg $0xFFFFFFFF;
	(pc) =	sbr.abs _section_cstart, $3  }
0xbf: {  	[dreg:$0x1] =	wrdreg $0xFFFFFFFF  }
0xc0: {  	_ =	task.clear_ibuf [dreg:s6], $0x2FFFF;
	_ =	strace $0x9FFFFFFF  }
0xc1: {  	(tm) =	ssettm $0x7FFFFFFF  }
tec
execute0_lowered:
.L_overlay_start_1:
0x0: {  	(tag) =	ssettag $0x1  }
0x1: {  	v0 =	vimm.s32 $0x5C483420;
	v1 =	vimm.s32 $0x2C180470  }
0x2: {  	v2 =	vimm.s32 $0xC786450;
	v3 =	vimm.s32 $0x3C281400;
	vm0 =	vcmask $0x1F10  }
0x3: {  	v38 =	vimm.s32 $0x5D493521;
	v40 =	vimm.s32 $0x2D190571;
	v6 =	vimm.s32 $0xD796551  }
0x4: {  	v7 =	vimm.s32 $0x3D291501;
	v41 =	vimm.s32 $0x5E4A3622;
	v43 =	vimm.s32 $0x2E1A0672  }
0x5: {  	v44 =	vimm.s32 $0xE7A6652;
	v45 =	vimm.s32 $0x3E2A1602;
	v47 =	vimm.s32 $0x5F4B3723  }
0x6: {  	v49 =	vimm.s32 $0x2F1B0773;
	v50 =	vimm.s32 $0xF7B6753;
	v51 =	vimm.s32 $0x3F2B1703  }
0x7: {  	v53 =	vimm.s32 $0x604C3824;
	v55 =	vimm.s32 $0x301C0874;
	v56 =	vimm.s32 $0x402C1804  }
0x8: {  	v57 =	vimm.s32 $0x107C6854;
	v58 =	vimm.s32 $0x614D3925;
	v60 =	vimm.s32 $0x311D0975  }
0x9: {  	v61 =	vimm.s32 $0x412D1905;
	v62 =	vimm.s32 $0x117D6955;
	v19 =	vimm.s32 $0x321E0A76  }
0xa: {  	v20 =	vimm.s32 $0x422E1A06;
	v21 =	vimm.s32 $0x127E6A56;
	v23 =	vimm.s32 $0x634F3B27  }
0xb: {  	v25 =	vimm.s32 $0x331F0B77;
	v26 =	vimm.s32 $0x432F1B07;
	v27 =	vimm.s32 $0x137F6B57  }
0xc: {  	v33 =	vimm.s32 $0x64503C28;
	v35 =	vimm.s32 $0x34200C78;
	v36 =	vimm.s32 $0x44301C08  }
0xd: {  	v37 =	vimm.s32 $0x14006C58;
	v12 =	vimm.s32 $0x3B27137F;
	v13 =	vimm.s32 $0x4B37230F  }
0xe: {  	v14 =	vimm.s32 $0x1B07735F;
	v0 =	vunpack.c.0.s8.s32 v0;
	v4 =	vunpack.c.0.s8.s32 v1  }
0xf: {  	v2 =	vunpack.c.0.s8.s32 v2;
	v5 =	vunpack.c.0.s8.s32 v3;
	v1 =	vlaneseq.u32  }
0x10: {  	v3 =	vunpack.c.0.s8.s32 v38;
	v8 =	vunpack.c.0.s8.s32 v40;
	v6 =	vunpack.c.0.s8.s32 v6  }
0x11: {  	v9 =	vunpack.c.0.s8.s32 v43;
	v10 =	vunpack.c.0.s8.s32 v49;
	v43 =	vimm.s32 $0x15016D59  }
0x12: {  	v49 =	vimm.s32 $0x16026E5A;
	v12 =	vunpack.c.0.s8.s32 v12;
	v13 =	vunpack.c.0.s8.s32 v13  }
0x13: {  	v14 =	vunpack.c.0.s8.s32 v14;
	v15 =	vmul.u32 $0x14, v1;
	v0 =	vsel vm0, v4, v0  }
0x14: {  	v39 =	vsel vm0, v2, v5;
	v2 =	vunpack.c.0.s8.s32 v7;
	v42 =	vsel vm0, v8, v3  }
0x15: {  	v7 =	vunpack.c.0.s8.s32 v44;
	v3 =	vunpack.c.0.s8.s32 v45;
	v8 =	vunpack.c.0.s8.s32 v50  }
0x16: {  	v45 =	vimm.s32 $0x66523E2A;
	v0 =	vcombine.low v39, v0;
	v11 =	vor.u32 $0x3, v15  }
0x17: {  	v46 =	vor.u32 $0x1, v15;
	v52 =	vor.u32 $0x2, v15;
	v63 =	vadd.s32 $0x4, v15;
	[tilespmem:$0x1FD80] =	vst v11  }
0x18: {  	v22 =	vadd.s32 $0x5, v15;
	v32 =	vadd.s32 $0x6, v15;
	v38 =	vadd.s32 $0x7, v15;
	[tilespmem:$0x1FDA0] =	vst v63  }
0x19: {  	v39 =	vimm.s32 $0x65513D29;
	v44 =	vadd.s32 $0x8, v15;
	v50 =	vadd.s32 $0x9, v15;
	[tilespmem:$0x1FDC0] =	vst v22  }
0x1a: {  	v6 =	vsel vm0, v6, v2;
	v7 =	vsel vm0, v7, v3;
	v11 =	vimm.s32 $0x624E3A26;
	[tilespmem:$0x1FDE0] =	vst v32  }
0x1b: {  	[tilespmem:$0x1FE40] =	vst v50;
	v63 =	vadd.s32 $0xC, v15;
	v22 =	vimm.s32 $0x4935210D;
	v32 =	vimm.s32 $0x4A36220E  }
0x1c: {  	v50 =	vimm.s32 $0x1D097561;
	[tilespmem:$0x1FD30] =	vst v0;
	v0 =	vunpack.c.0.s8.s32 v41;
	v4 =	vcombine.low v6, v42  }
0x1d: {  	v41 =	vimm.s32 $0x35210D79;
	v42 =	vimm.s32 $0x45311D09;
	[tilespmem:$0x1FEA0] =	vst v63;
	v63 =	vadd.s32 $0x13, v15  }
0x1e: {  	[tilespmem:$0x1FD50] =	vst v4;
	v48 =	vsel vm0, v9, v0;
	v4 =	vunpack.c.0.s8.s32 v47;
	v0 =	vunpack.c.0.s8.s32 v51  }
0x1f: {  	v9 =	vunpack.c.0.s8.s32 v56;
	v47 =	vimm.s32 $0x36220E7A;
	v51 =	vimm.s32 $0x67533F2B  }
0x20: {  	v56 =	vadd.s32 $0xA, v15;
	v6 =	vcombine.low v7, v48;
	v48 =	vimm.s32 $0x46321E0A  }
0x21: {  	v7 =	vunpack.c.0.s8.s32 v22;
	v4 =	vsel vm0, v10, v4;
	v54 =	vsel vm0, v8, v0  }
0x22: {  	v8 =	vunpack.c.0.s8.s32 v55;
	v10 =	vunpack.c.0.s8.s32 v57;
	v55 =	vimm.s32 $0x17036F5B  }
0x23: {  	v57 =	vimm.s32 $0x6854402C;
	[tilespmem:$0x1FD70] =	vst v6;
	v6 =	vunpack.c.0.s8.s32 v53;
	v4 =	vcombine.low v54, v4  }
0x24: {  	v53 =	vimm.s32 $0x37230F7B;
	v54 =	vimm.s32 $0x47331F0B;
	v59 =	vsel vm0, v10, v9  }
0x25: {  	v9 =	vunpack.c.0.s8.s32 v61;
	v10 =	vunpack.c.0.s8.s32 v62;
	v61 =	vimm.s32 $0x1804705C  }
0x26: {  	v62 =	vadd.s32 $0xB, v15;
	[tilespmem:$0x1FD90] =	vst v4;
	v6 =	vsel vm0, v8, v6;
	v4 =	vunpack.c.0.s8.s32 v58  }
0x27: {  	v8 =	vunpack.c.0.s8.s32 v60;
	v60 =	vimm.s32 $0x4834200C;
	v6 =	vcombine.low v59, v6  }
0x28: {  	v18 =	vsel vm0, v10, v9;
	v9 =	vunpack.c.0.s8.s32 v20;
	v10 =	vunpack.c.0.s8.s32 v21  }
0x29: {  	v59 =	vimm.s32 $0x3824107C;
	v21 =	vimm.s32 $0x3925117D;
	v4 =	vsel vm0, v8, v4  }
0x2a: {  	v8 =	vunpack.c.0.s8.s32 v19;
	v19 =	vimm.s32 $0x6955412D;
	[tilespmem:$0x1FDB0] =	vst v6;
	v6 =	vunpack.c.0.s8.s32 v11  }
0x2b: {  	v4 =	vcombine.low v18, v4;
	v24 =	vsel vm0, v10, v9;
	v9 =	vunpack.c.0.s8.s32 v26  }
0x2c: {  	v10 =	vunpack.c.0.s8.s32 v27;
	v20 =	vunpack.c.0.s8.s32 v19;
	v26 =	vimm.s32 $0x3A26127E  }
0x2d: {  	v27 =	vunpack.c.0.s8.s32 v26;
	[tilespmem:$0x1FDD0] =	vst v4;
	v6 =	vsel vm0, v8, v6;
	v4 =	vunpack.c.0.s8.s32 v23  }
0x2e: {  	v8 =	vunpack.c.0.s8.s32 v25;
	v34 =	vsel vm0, v10, v9;
	v9 =	vunpack.c.0.s8.s32 v36  }
0x2f: {  	v10 =	vunpack.c.0.s8.s32 v37;
	v23 =	vimm.s32 $0x1905715D;
	v25 =	vimm.s32 $0x6A56422E  }
0x30: {  	v6 =	vcombine.low v24, v6;
	v24 =	vadd.s32 $0xD, v15;
	v4 =	vsel vm0, v8, v4  }
0x31: {  	v8 =	vunpack.c.0.s8.s32 v35;
	v40 =	vsel vm0, v10, v9;
	v9 =	vunpack.c.0.s8.s32 v42  }
0x32: {  	v10 =	vunpack.c.0.s8.s32 v43;
	v35 =	vadd.s32 $0xE, v15;
	[tilespmem:$0x1FDF0] =	vst v6;
	v6 =	vunpack.c.0.s8.s32 v33  }
0x33: {  	v42 =	vimm.s32 $0x1C087460;
	v43 =	vadd.s32 $0xF, v15;
	v4 =	vcombine.low v34, v4  }
0x34: {  	v33 =	vimm.s32 $0x1A06725E;
	v34 =	vimm.s32 $0x6B57432F;
	v6 =	vsel vm0, v8, v6  }
0x35: {  	[tilespmem:$0x1FE10] =	vst v4;
	v4 =	vunpack.c.0.s8.s32 v39;
	v8 =	vunpack.c.0.s8.s32 v41;
	v6 =	vcombine.low v40, v6  }
0x36: {  	[tilespmem:$0x1FD40] =	vst v46;
	v46 =	vsel vm0, v10, v9;
	v9 =	vunpack.c.0.s8.s32 v48;
	v10 =	vunpack.c.0.s8.s32 v49  }
0x37: {  	v4 =	vsel vm0, v8, v4;
	v8 =	vunpack.c.0.s8.s32 v47;
	[tilespmem:$0x1FE30] =	vst v6;
	v6 =	vunpack.c.0.s8.s32 v45  }
0x38: {  	[tilespmem:$0x1FD60] =	vst v52;
	v48 =	vimm.s32 $0x6D594531;
	v52 =	vsel vm0, v10, v9;
	v4 =	vcombine.low v46, v4  }
0x39: {  	v9 =	vunpack.c.0.s8.s32 v54;
	v10 =	vunpack.c.0.s8.s32 v55;
	v6 =	vsel vm0, v8, v6  }
0x3a: {  	[tilespmem:$0x1FE50] =	vst v4;
	v4 =	vunpack.c.0.s8.s32 v51;
	v8 =	vunpack.c.0.s8.s32 v53;
	v6 =	vcombine.low v52, v6  }
0x3b: {  	[tilespmem:$0x1FE00] =	vst v38;
	v58 =	vsel vm0, v10, v9;
	v9 =	vunpack.c.0.s8.s32 v60;
	v10 =	vunpack.c.0.s8.s32 v61  }
0x3c: {  	v4 =	vsel vm0, v8, v4;
	v8 =	vunpack.c.0.s8.s32 v59;
	[tilespmem:$0x1FE70] =	vst v6;
	v6 =	vunpack.c.0.s8.s32 v57  }
0x3d: {  	[tilespmem:$0x1FE20] =	vst v44;
	v49 =	vimm.s32 $0x4D392511;
	v39 =	vsel vm0, v14, v13;
	v4 =	vcombine.low v58, v4  }
0x3e: {  	[tilespmem:$0x1FE60] =	vst v56;
	v41 =	vimm.s32 $0x4C382410;
	v18 =	vsel vm0, v10, v9;
	v11 =	vsel vm0, v8, v6  }
0x3f: {  	[tilespmem:$0x1FE90] =	vst v4;
	v6 =	vunpack.c.0.s8.s32 v21;
	v8 =	vunpack.c.0.s8.s32 v23;
	v4 =	vcombine.low v18, v11  }
0x40: {  	[tilespmem:$0x1FE80] =	vst v62;
	v40 =	vimm.s32 $0x6C584430;
	v54 =	vadd.s32 $0x11, v15;
	v45 =	vadd.s32 $0x10, v15  }
0x41: {  	v11 =	vunpack.c.0.s8.s32 v34;
	v7 =	vsel vm0, v8, v7;
	[tilespmem:$0x1FEB0] =	vst v4;
	v4 =	vsel vm0, v6, v20  }
0x42: {  	[tilespmem:$0x1FEC0] =	vst v24;
	v9 =	vunpack.c.0.s8.s32 v32;
	v10 =	vunpack.c.0.s8.s32 v33;
	v4 =	vcombine.low v7, v4  }
0x43: {  	s0 =	rddreg [dreg:$0x0];
	s1 =	simm.s32 $0x0;
	[tilespmem:$0x1FEE0] =	vst v35;
	v51 =	vimm.s32 $0x6E5A4632;
	v53 =	vimm.s32 $0x1E0A7662;
	v38 =	vsel vm0, v12, v11  }
0x44: {  	s22 =	srdreg.scid;
	[smem:$0x7FF] =	sst s1;
	v37 =	vsel vm0, v10, v9;
	v9 =	vunpack.c.0.s8.s32 v40;
	v44 =	vcombine.low v39, v38;
	[tilespmem:$0x1FED0] =	vst v4  }
0x45: {  	s3 =	stileid.u32;
	s14 =	simm.s32 $0x80;
	v60 =	vadd.s32 $0x12, v15;
	v52 =	vimm.s32 $0x4E3A2612;
	v10 =	vunpack.c.0.s8.s32 v41;
	_ =	strace $0x80000047;
	[tilespmem:$0x1FF00] =	vst v43  }
0x46: {  	s15 =	simm.s32 $0x400;
	s16 =	simm.s32 $0x2;
	s17 =	simm.s32 $0x200;
	v59 =	vimm.s32 $0x1F0B7763;
	v46 =	vsel vm0, v5, v9;
	v9 =	vunpack.c.0.s8.s32 v51;
	[tilespmem:$0x1FF10] =	vst v44  }
0x47: {  	s20 =	simm.s32 $0x3000;
	s21 =	simm.s32 $0x10;
	s31 =	simm.s32 $0x10800;
	v41 =	vmul.u32 $0x80, v1;
	v57 =	vimm.s32 $0x6F5B4733;
	v6 =	vunpack.c.0.s8.s32 v25;
	[tilespmem:$0x1FF20] =	vst v45  }
0x48: {  	s28 =	simm.s32 $0x40;
	s18 =	simm.s32 $0x15800;
	s19 =	simm.s32 $0x19800;
	v58 =	vimm.s32 $0x4F3B2713;
	v3 =	vsel vm0, v3, v9;
	v11 =	vunpack.c.0.s8.s32 v42;
	[tilespmem:$0x1FF40] =	vst v54  }
0x49: {  	s1 =	sand.u32 $0x1, s22;
	s2 =	sshrl.u32 s3, $0x2;
	s3 =	sshll.u32 s3, $0x8;
	v8 =	vunpack.c.0.s8.s32 v50;
	v7 =	vunpack.c.0.s8.s32 v49;
	v36 =	vsel vm0, v27, v6;
	[tilespmem:$0x1FF60] =	vst v60  }
0x4a: {  	s22 =	simm.s32 $0x5800;
	s4 =	sshll.u32 s1, $0x7;
	s3 =	sand.u32 $0x300, s3;
	v47 =	vsel vm0, v11, v10;
	v4 =	vcombine.low v37, v36;
	v36 =	vmul.u32 $0xA00, v1;
	[tilespmem:$0x1FF80] =	vst v63  }
0x4b: {  	s5 =	smul.u32 $0x14000, s2;
	s2 =	sshll.u32 s2, $0xC;
	s1 =	ssub.s32 $0x2, s1;
	v6 =	vunpack.c.0.s8.s32 v48;
	v10 =	vunpack.c.0.s8.s32 v52;
	v11 =	vunpack.c.0.s8.s32 v53;
	[tilespmem:$0x1FFA0] =	vst v15  }
0x4c: {  	s6 =	sor.u32 s4, s3;
	s3 =	sadd.s32 $0x16400, s0;
	s4 =	sadd.s32 $0x3EA400, s0;
	v55 =	vsel vm0, v8, v7;
	v7 =	vunpack.c.0.s8.s32 v58;
	[tilespmem:$0x1FEF0] =	vst v4;
	v30 =	vadd.s32 $0x900, v36  }
0x4d: {  	s23 =	sshrl.u32 s1, $0x1;
	s2 =	sor.u32 s2, s6;
	s5 =	sor.u32 s5, s6;
	v8 =	vunpack.c.0.s8.s32 v59;
	v2 =	vsel vm0, v2, v6;
	v51 =	vadd.s32 $0x400, v36;
	[tilespmem:$0x1FFB0] =	vst v30  }
0x4e: {  	s1 =	ssub.s32 s1, s23;
	s23 =	simm.s32 $0x6000;
	s2 =	sshrl.u32 s2, $0x3;
	v56 =	vsel vm0, v11, v10;
	v4 =	vcombine.low v47, v46;
	v46 =	vadd.s32 $0x600, v36;
	[tilespmem:$0x1FFC0] =	vst v51  }
0x4f: {  	s5 =	sshrl.u32 s5, $0x3;
	s13 =	smax.u32 s1, $0x1;
	s2 =	sadd.s32 s2, s0;
	v6 =	vunpack.c.0.s8.s32 v57;
	v2 =	vcombine.low v55, v2;
	v34 =	vor.u32 $0x180, v36;
	[tilespmem:$0x1FFD0] =	vst v46  }
0x50: {  	s1 =	simm.s32 $0x11000;
	s0 =	sadd.s32 s5, s0;
	s24 =	sadd.s32 $0x15400, s2;
	v61 =	vcombine.low v56, v3;
	v62 =	vsel vm0, v8, v7;
	v38 =	vor.u32 $0x80, v36;
	[tilespmem:$0x1FFF0] =	vst v34  }
0x51: {  	s30 =	simm.s32 $0x0;
	s25 =	sadd.s32 $0x14C00, s2;
	s26 =	sadd.s32 $0xA400, s0;
	v39 =	vor.u32 $0x100, v36;
	v47 =	vadd.s32 $0x200, v36;
	v48 =	vadd.s32 $0x280, v36;
	[tilespmem:$0x1FF30] =	vst v4  }
0x52: {  	s29 =	sadd.s32 $0x15C00, s2;
	s11 =	sadd.s32 $0x7BE400, s2;
	[dreg:$0x2] =	wrdreg s24;
	v50 =	vadd.s32 $0x300, v36;
	v52 =	vadd.s32 $0x380, v36;
	v0 =	vsel vm0, v0, v6;
	[tilespmem:$0x1FF50] =	vst v2  }
0x53: {  	s9 =	sadd.s32 $0x14400, s2;
	s12 =	sadd.s32 $0x7BEC00, s2;
	[dreg:$0x3] =	wrdreg s25;
	v45 =	vadd.s32 $0x480, v36;
	[tilespmem:$0x1FF70] =	vst v61;
	v0 =	vcombine.low v62, v0;
	v61 =	vadd.s32 $0x880, v36  }
0x54: {  	s10 =	sadd.s32 $0x400, s0;
	s2 =	simm.s32 $0x11800;
	[dreg:$0x4] =	wrdreg s26;
	v53 =	vadd.s32 $0x500, v36;
	v32 =	vadd.s32 $0x580, v36;
	v55 =	vadd.s32 $0x680, v36;
	[tilespmem:$0x1FFE0] =	vst v61  }
0x55: {  	[dreg:$0x5] =	wrdreg s29;
	s24 =	simm.s32 $0x6800;
	s25 =	simm.s32 $0x1;
	v56 =	vadd.s32 $0x700, v36;
	v57 =	vadd.s32 $0x780, v36;
	v58 =	vadd.s32 $0x800, v36;
	[tilespmem:$0x1FF90] =	vst v0  }
.LBB2_1:
0x56: {  	s0 =	simm.s32 $0x0;
	s5 =	rddreg [dreg:$0x2]  }
0x57: {  	[tilespmem:s0], [sflag:$0x2] =	stream.strided.gather [hbm4b:s5+s14], $0x200, s15, s14, $0x38;
	[tilespmem:$0x1BC00] =	vst v63  }
0x58: {  	_ =	swait.ge [sflag:s16], $0x200  }
0x59: {  	[sflag:s16] =	ssyncset.done $0x0  }
0x5a: {  	s8 =	rddreg [dreg:$0x3];
	[sflag:s16] =	ssyncadd.s32 $0xFFFFFE00  }
0x5b: {  	[tilespmem:s17], [sflag:$0x2] =	stream.strided.gather [hbm4b:s8+s14], $0x200, s15, s14, $0x38;
	[tilespmem:$0x1BC00] =	vst v63  }
0x5c: {  	_ =	swait.ge [sflag:s16], $0x200  }
0x5d: {  	[sflag:s16] =	ssyncset.done $0x0  }
0x5e: {  	s26 =	rddreg [dreg:$0x4];
	[sflag:s16] =	ssyncadd.s32 $0xFFFFFE00  }
0x5f: {  	[tilespmem:s15], [sflag:$0x2] =	stream.strided.gather [hbm4b:s26+s14], $0x2800, s15, s14, $0x38;
	[tilespmem:$0x1BC00] =	vst v63  }
0x60: {  	_ =	swait.ge [sflag:s16], $0x2800  }
0x61: {  	[sflag:s16] =	ssyncset.done $0x0  }
0x62: {  	s6 =	simm.s32 $0x2C00;
	s29 =	rddreg [dreg:$0x5];
	[sflag:s16] =	ssyncadd.s32 $0xFFFFD800  }
0x63: {  	[tilespmem:s6], [sflag:$0x2] =	stream.strided.gather [hbm4b:s29+s14], $0x200, s15, s14, $0x38;
	[tilespmem:$0x1BC00] =	vst v63  }
0x64: {  	_ =	swait.ge [sflag:s16], $0x200  }
0x65: {  	[sflag:s16] =	ssyncset.done $0x0  }
0x66: {  	s6 =	simm.s32 $0x2E00;
	[sflag:s16] =	ssyncadd.s32 $0xFFFFFE00  }
0x67: {  	[tilespmem:s6], [sflag:$0x2] =	stream.strided.gather [hbm4b:s9+s14], $0x200, s15, s14, $0x38;
	[tilespmem:$0x1BC00] =	vst v63  }
0x68: {  	_ =	swait.ge [sflag:s16], $0x200  }
0x69: {  	[sflag:s16] =	ssyncset.done $0x0  }
0x6a: {  	[sflag:s16] =	ssyncadd.s32 $0xFFFFFE00  }
0x6b: {  	[tilespmem:s20], [sflag:$0x2] =	stream.strided.gather [hbm4b:s10+s14], $0x2800, s15, s14, $0x38;
	[tilespmem:$0x1BC00] =	vst v63  }
0x6c: {  	_ =	swait.ge [sflag:s16], $0x2800  }
0x6d: {  	[sflag:s16] =	ssyncset.done $0x0  }
0x6e: {  	[sflag:s16] =	ssyncadd.s32 $0xFFFFD800  }
0x6f: {  	[tilespmem:s22], [sflag:$0x1] =	stream.indirect.gather [hbm4b:s3+s21], $0x80, s0, s21, $0xb8;
	[tilespmem:$0x1BC00] =	vst v63  }
0x70: {  	_ = 	snop  }
0x71: {  	[tilespmem:s23], [sflag:$0x1] =	stream.indirect.gather [hbm4b:s4+s21], $0x80, s17, s21, $0xb8;
	[tilespmem:$0x1BC00] =	vst v63  }
0x72: {  	_ = 	snop  }
0x73: {  	[tilespmem:s24], [sflag:$0x1] =	stream.indirect.gather [hbm4b:s4+s14], $0x80, s15, s14, $0xb8;
	[tilespmem:$0x1BC00] =	vst v63  }
0x74: {  	s7 =	simm.s32 $0x480;
	s8 =	simm.s32 $0xA800  }
0x75: {  	[tilespmem:s8], [sflag:$0x1] =	stream.indirect.gather [hbm4b:s4+s14], $0x80, s7, s14, $0xb8;
	[tilespmem:$0x1BC00] =	vst v63  }
0x76: {  	s26 =	simm.s32 $0x500;
	s29 =	simm.s32 $0xE800  }
0x77: {  	[tilespmem:s29], [sflag:$0x1] =	stream.indirect.gather [hbm4b:s4+s28], $0x80, s26, s28, $0xb8;
	[tilespmem:$0x1BC00] =	vst v63  }
0x78: {  	s26 =	simm.s32 $0x0  }
.LBB2_2:
0x79: {  	s0 =	sshllo.u32 s26, $0x1  }
0x7a: {  	s29 =	sshll.u32 s0, $0x4;
	s0 =	smul.u32 $0x500, s0  }
0x7b: {  	[tilespmem:s31], [sflag:$0x1] =	stream.indirect.gather [hbm4b:s3+s21], $0x80, s29, s21, $0xb8;
	[tilespmem:$0x1BC00] =	vst v63  }
0x7c: {  	s5 =	sadd.s32 $0x200, s29;
	s0 =	sshra.s32 s0, $0x2  }
0x7d: {  	[tilespmem:s1], [sflag:$0x1] =	stream.indirect.gather [hbm4b:s4+s21], $0x80, s5, s21, $0xb8;
	[tilespmem:$0x1BC00] =	vst v63  }
0x7e: {  	s7 =	sadd.s32 $0x400, s0  }
0x7f: {  	[tilespmem:s2], [sflag:$0x1] =	stream.indirect.gather [hbm4b:s4+s14], $0x80, s7, s14, $0xb8;
	[tilespmem:$0x1BC00] =	vst v63  }
0x80: {  	s8 =	sadd.s32 $0x480, s0  }
0x81: {  	[tilespmem:s18], [sflag:$0x1] =	stream.indirect.gather [hbm4b:s4+s14], $0x80, s8, s14, $0xb8;
	[tilespmem:$0x1BC00] =	vst v63  }
0x82: {  	s0 =	sadd.s32 $0x500, s0  }
0x83: {  	[tilespmem:s19], [sflag:$0x1] =	stream.indirect.gather [hbm4b:s4+s28], $0x80, s0, s28, $0xb8;
	[tilespmem:$0x1BC00] =	vst v63  }
0x84: {  	_ =	swait.ge [sflag:s25], $0x800  }
0x85: {  	[sflag:s25] =	ssyncset.done $0x0  }
0x86: {  	[sflag:s25] =	ssyncadd.s32 $0xFFFFF800  }
0x87: {  	_ =	swait.ge [sflag:s25], $0x800  }
0x88: {  	[sflag:s25] =	ssyncset.done $0x0  }
0x89: {  	[sflag:s25] =	ssyncadd.s32 $0xFFFFF800  }
0x8a: {  	_ =	swait.ge [sflag:s25], $0x4000  }
0x8b: {  	s0 =	sshll.u32 s26, $0x5;
	[sflag:s25] =	ssyncset.done $0x0  }
0x8c: {  	v0 =	vmov s0;
	[sflag:s25] =	ssyncadd.s32 $0xFFFFC000  }
0x8d: {  	v0 =	vmul.u32 $0x14, v0;
	_ =	swait.ge [sflag:s25], $0x4000  }
0x8e: {  	v2 =	vld [tilespmem:$0x1FD30]  }
0x8f: {  	v0 =	vbroadcast v0, $0x0;
	_ =	sdelay $0x1  }
0x90: {  	v1 =	vadd.s32 v15, v0  }
0x91: {  	v1 =	vand.u32 $0xFFFFFF80, v1;
	[sflag:s25] =	ssyncset.done $0x0  }
0x92: {  	[sflag:s25] =	ssyncadd.s32 $0xFFFFC000;
	v1 =	vor.u32 v2, v1;
	v2 =	vld [tilespmem:$0x1FD40]  }
0x93: {  	_ =	swait.ge [sflag:s25], $0x2000  }
0x94: {  	v3 =	vld [tilespmem:$0x1FD50];
	_ =	sdelay $0x2  }
0x95: {  	v2 =	vadd.s32 v2, v0  }
0x96: {  	v2 =	vand.u32 $0xFFFFFF80, v2  }
0x97: {  	v2 =	vor.u32 v3, v2;
	v3 =	vld [tilespmem:$0x1FD60]  }
0x98: {  	v4 =	vld [tilespmem:$0x1FD80]  }
0x99: {  	v5 =	vld [tilespmem:$0x1FD70]  }
0x9a: {  	v6 =	vld [tilespmem:$0x1FD90]  }
0x9b: {  	[sflag:s25] =	ssyncset.done $0x0  }
0x9c: {  	[sflag:s25] =	ssyncadd.s32 $0xFFFFE000;
	v3 =	vadd.s32 v3, v0  }
0x9d: {  	v59 =	vld.idx.msk [tilespmem:v1+s20+$0x0], $0xffff;
	v4 =	vadd.s32 v4, v0;
	v3 =	vand.u32 $0xFFFFFF80, v3  }
0x9e: {  	v4 =	vand.u32 $0xFFFFFF80, v4;
	v3 =	vor.u32 v5, v3;
	v5 =	vld [tilespmem:$0x1FDA0]  }
0x9f: {  	v4 =	vor.u32 v6, v4;
	v6 =	vld [tilespmem:$0x1FDC0]  }
0xa0: {  	v1 =	vld [tilespmem:$0x1FDB0];
	_ =	sdelay $0x2  }
0xa1: {  	v5 =	vadd.s32 v5, v0  }
0xa2: {  	v6 =	vadd.s32 v6, v0;
	v5 =	vand.u32 $0xFFFFFF80, v5  }
0xa3: {  	v8 =	vor.u32 v1, v5;
	v1 =	vand.u32 $0xFFFFFF80, v6;
	v6 =	vld [tilespmem:$0x1FDD0];
	_ =	sdelay $0x4  }
0xa4: {  	v6 =	vor.u32 v6, v1;
	v1 =	vld [tilespmem:$0x1FE00];
	_ =	sdelay $0x3  }
0xa5: {  	v5 =	vld [tilespmem:$0x1FDE0]  }
0xa6: {  	v7 =	vadd.s32 v1, v0;
	v1 =	vld.idx.msk [tilespmem:v2+s20+$0x0], $0xffff  }
0xa7: {  	v2 =	vld [tilespmem:$0x1FDF0]  }
0xa8: {  	v9 =	vld [tilespmem:$0x1FE10];
	_ =	sdelay $0x1  }
0xa9: {  	v5 =	vadd.s32 v5, v0  }
0xaa: {  	v5 =	vand.u32 $0xFFFFFF80, v5  }
0xab: {  	v2 =	vor.u32 v2, v5;
	v5 =	vand.u32 $0xFFFFFF80, v7;
	v7 =	vld [tilespmem:$0x1FE20]  }
0xac: {  	v10 =	vor.u32 v9, v5;
	v5 =	vld.idx.msk [tilespmem:v3+s20+$0x0], $0xffff  }
0xad: {  	v3 =	vld [tilespmem:$0x1FE30];
	_ =	sdelay $0x2  }
0xae: {  	v7 =	vadd.s32 v7, v0  }
0xaf: {  	v7 =	vand.u32 $0xFFFFFF80, v7  }
0xb0: {  	v3 =	vor.u32 v3, v7;
	v7 =	vld [tilespmem:$0x1FE40];
	_ =	sdelay $0x4  }
0xb1: {  	v9 =	vadd.s32 v7, v0  }
0xb2: {  	v11 =	vand.u32 $0xFFFFFF80, v9;
	v9 =	vld.idx.msk [tilespmem:v8+s20+$0x0], $0xffff  }
0xb3: {  	v8 =	vld [tilespmem:$0x1FE50];
	_ =	sdelay $0x4  }
0xb4: {  	v8 =	vor.u32 v8, v11;
	v11 =	vld [tilespmem:$0x1FE60];
	_ =	sdelay $0x4  }
0xb5: {  	s6 =	simm.s32 $0x0;
	v19 =	vld.idx.msk [tilespmem:v6+s20+$0x0], $0xffff;
	v11 =	vadd.s32 v11, v0  }
0xb6: {  	v6 =	vadd.s32 s6, v1;
	v12 =	vand.u32 $0xFFFFFF80, v11;
	v11 =	vld.idx.msk [tilespmem:v2+s20+$0x0], $0xffff  }
0xb7: {  	v2 =	vadd.s32 v38, v6;
	v6 =	vld [tilespmem:$0x1FE70];
	_ =	sdelay $0x4  }
0xb8: {  	v6 =	vor.u32 v6, v12;
	v12 =	vld [tilespmem:$0x1FE80];
	_ =	sdelay $0x1  }
0xb9: {  	v14 =	vld [tilespmem:$0x1FE90]  }
0xba: {  	v7 =	vld.idx.msk [tilespmem:v4+s20+$0x0], $0xffff;
	_ =	sdelay $0x1  }
0xbb: {  	v12 =	vadd.s32 v12, v0  }
0xbc: {  	v12 =	vand.u32 $0xFFFFFF80, v12  }
0xbd: {  	v12 =	vor.u32 v14, v12;
	v14 =	vld [tilespmem:$0x1FEA0]  }
0xbe: {  	v15 =	vadd.s32 s6, v7;
	v23 =	vld.idx.msk [tilespmem:v8+s20+$0x0], $0xffff  }
0xbf: {  	v8 =	vadd.s32 v34, v15;
	v15 =	vld [tilespmem:$0x1FEB0];
	_ =	sdelay $0x2  }
0xc0: {  	v14 =	vadd.s32 v14, v0  }
0xc1: {  	v14 =	vand.u32 $0xFFFFFF80, v14  }
0xc2: {  	v4 =	vadd.s32 s6, v59;
	v14 =	vor.u32 v15, v14;
	v15 =	vld [tilespmem:$0x1FEC0]  }
0xc3: {  	v4 =	vadd.s32 v36, v4;
	v16 =	vadd.s32 s6, v9;
	v37 =	vld.idx.msk [tilespmem:v6+s20+$0x0], $0xffff  }
0xc4: {  	v6 =	vadd.s32 v47, v16;
	v16 =	vld [tilespmem:$0x1FED0];
	_ =	sdelay $0x2  }
0xc5: {  	v15 =	vadd.s32 v15, v0  }
0xc6: {  	v4 =	vld.idx.msk [tilespmem:v4+s24+$0x0], $0xffff;
	v15 =	vand.u32 $0xFFFFFF80, v15  }
0xc7: {  	v15 =	vor.u32 v16, v15;
	v16 =	vld [tilespmem:$0x1FEE0]  }
0xc8: {  	v17 =	vadd.s32 s6, v19;
	v25 =	vld.idx.msk [tilespmem:v12+s20+$0x0], $0xffff  }
0xc9: {  	v12 =	vadd.s32 v48, v17;
	v17 =	vld [tilespmem:$0x1FEF0];
	_ =	sdelay $0x1  }
0xca: {  	v2 =	vld.idx.msk [tilespmem:v2+s24+$0x0], $0xffff  }
0xcb: {  	v13 =	vld.idx.msk [tilespmem:v10+s20+$0x0], $0xffff;
	v10 =	vadd.s32 s6, v5;
	v16 =	vadd.s32 v16, v0  }
0xcc: {  	v10 =	vadd.s32 v39, v10;
	v16 =	vand.u32 $0xFFFFFF80, v16  }
0xcd: {  	v4 =	vadd.f32 $0.0e+00, v4;
	v16 =	vor.u32 v17, v16;
	v17 =	vld [tilespmem:$0x1FF00];
	_ =	sdelay $0x1  }
0xce: {  	v2 =	vadd.f32 v2, v4;
	v4 =	vld [tilespmem:$0x1FF10];
	_ =	sdelay $0x1  }
0xcf: {  	v10 =	vld.idx.msk [tilespmem:v10+s24+$0x0], $0xffff  }
0xd0: {  	v17 =	vadd.s32 v17, v0  }
0xd1: {  	v17 =	vand.u32 $0xFFFFFF80, v17  }
0xd2: {  	v4 =	vor.u32 v4, v17;
	v17 =	vld [tilespmem:$0x1FF20];
	_ =	sdelay $0x1  }
0xd3: {  	v2 =	vadd.f32 v10, v2;
	v10 =	vld [tilespmem:$0x1FF30];
	_ =	sdelay $0x1  }
0xd4: {  	v8 =	vld.idx.msk [tilespmem:v8+s24+$0x0], $0xffff  }
0xd5: {  	v17 =	vadd.s32 v17, v0  }
0xd6: {  	v17 =	vand.u32 $0xFFFFFF80, v17  }
0xd7: {  	v10 =	vor.u32 v10, v17;
	v17 =	vld [tilespmem:$0x1FF40];
	_ =	sdelay $0x1  }
0xd8: {  	v2 =	vadd.f32 v8, v2;
	v8 =	vld [tilespmem:$0x1FF50];
	_ =	sdelay $0x1  }
0xd9: {  	v6 =	vld.idx.msk [tilespmem:v6+s24+$0x0], $0xffff  }
0xda: {  	v42 =	vld [tilespmem:s0+$0x2C00];
	v17 =	vadd.s32 v17, v0  }
0xdb: {  	v12 =	vld.idx.msk [tilespmem:v12+s24+$0x0], $0xffff;
	v17 =	vand.u32 $0xFFFFFF80, v17  }
0xdc: {  	v8 =	vor.u32 v8, v17;
	v17 =	vld [tilespmem:$0x1FF60]  }
0xdd: {  	v3 =	vld.idx.msk [tilespmem:v3+s20+$0x0], $0xffff  }
0xde: {  	v18 =	vadd.s32 s6, v11;
	v2 =	vadd.f32 v6, v2;
	v6 =	vld [tilespmem:$0x1FF70]  }
0xdf: {  	v27 =	vld.idx.msk [tilespmem:v14+s20+$0x0], $0xffff;
	v14 =	vadd.s32 v50, v18  }
0xe0: {  	v49 =	vld [tilespmem:s0+$0x2E00]  }
0xe1: {  	v2 =	vadd.f32 v12, v2;
	v12 =	vld [tilespmem:$0x1FF90];
	v17 =	vadd.s32 v17, v0  }
0xe2: {  	v18 =	vadd.s32 s6, v13;
	v29 =	vld.idx.msk [tilespmem:v15+s20+$0x0], $0xffff;
	v17 =	vand.u32 $0xFFFFFF80, v17  }
0xe3: {  	v15 =	vadd.s32 v52, v18;
	v6 =	vor.u32 v6, v17;
	v17 =	vld [tilespmem:$0x1FF80]  }
0xe4: {  	v14 =	vld.idx.msk [tilespmem:v14+s24+$0x0], $0xffff;
	v18 =	vadd.s32 s6, v3  }
0xe5: {  	v31 =	vld.idx.msk [tilespmem:v16+s20+$0x0], $0xffff;
	v16 =	vadd.s32 v51, v18  }
0xe6: {  	s5 =	simm.s32 $0x1;
	v18 =	vadd.s32 s6, v23;
	v33 =	vld.idx.msk [tilespmem:v4+s20+$0x0], $0xffff  }
0xe7: {  	v4 =	vadd.s32 v45, v18;
	v21 =	vld.idx.msk [tilespmem:v8+s20+$0x0], $0xffff;
	v8 =	vadd.s32 s5, v59  }
0xe8: {  	v8 =	vadd.s32 v36, v8;
	v0 =	vadd.s32 v17, v0;
	v17 =	vld.idx.msk [tilespmem:v15+s24+$0x0], $0xffff;
	v15 =	vadd.s32 s6, v37  }
0xe9: {  	v35 =	vld.idx.msk [tilespmem:v10+s20+$0x0], $0xffff;
	v0 =	vand.u32 $0xFFFFFF80, v0;
	v10 =	vadd.s32 v53, v15  }
0xea: {  	v15 =	vadd.s32 s6, v25;
	v0 =	vor.u32 v12, v0;
	v12 =	vld.idx.msk [tilespmem:v16+s24+$0x0], $0xffff  }
0xeb: {  	v2 =	vadd.f32 v14, v2;
	v16 =	vadd.s32 v32, v15;
	v15 =	vld.idx.msk [tilespmem:v6+s20+$0x0], $0xffff;
	v6 =	vadd.s32 s5, v1  }
0xec: {  	v14 =	vadd.s32 s6, v27;
	v4 =	vld.idx.msk [tilespmem:v4+s24+$0x0], $0xffff;
	v6 =	vadd.s32 v38, v6  }
0xed: {  	v22 =	vadd.s32 s5, v9;
	v14 =	vadd.s32 v46, v14;
	v8 =	vld.idx.msk [tilespmem:v8+s24+$0x0], $0xffff;
	v2 =	vadd.f32 v17, v2  }
0xee: {  	v22 =	vadd.s32 v47, v22;
	v18 =	vadd.s32 s6, v29;
	v10 =	vld.idx.msk [tilespmem:v10+s24+$0x0], $0xffff  }
0xef: {  	v18 =	vadd.s32 v55, v18;
	v17 =	vld.idx.msk [tilespmem:v0+s20+$0x0], $0xffff;
	v0 =	vadd.s32 s5, v5;
	v2 =	vadd.f32 v12, v2  }
0xf0: {  	v12 =	vld.idx.msk [tilespmem:v16+s24+$0x0], $0xffff;
	v16 =	vadd.s32 s6, v31;
	v0 =	vadd.s32 v39, v0  }
0xf1: {  	v20 =	vadd.s32 s5, v7;
	v16 =	vadd.s32 v56, v16;
	v6 =	vld.idx.msk [tilespmem:v6+s24+$0x0], $0xffff;
	v2 =	vadd.f32 v4, v2  }
0xf2: {  	v14 =	vld.idx.msk [tilespmem:v14+s24+$0x0], $0xffff;
	v4 =	vadd.s32 v34, v20;
	v20 =	vadd.s32 s6, v33  }
0xf3: {  	v22 =	vld.idx.msk [tilespmem:v22+s24+$0x0], $0xffff;
	v20 =	vadd.s32 v57, v20;
	v2 =	vadd.f32 v10, v2;
	v10 =	vadd.s32 s6, v35  }
0xf4: {  	v24 =	vadd.s32 s5, v19;
	v18 =	vld.idx.msk [tilespmem:v18+s24+$0x0], $0xffff;
	v8 =	vadd.f32 $0.0e+00, v8;
	v10 =	vadd.s32 v58, v10  }
0xf5: {  	v24 =	vadd.s32 v48, v24;
	v40 =	vadd.s32 s5, v11;
	v0 =	vld.idx.msk [tilespmem:v0+s24+$0x0], $0xffff;
	v2 =	vadd.f32 v12, v2  }
0xf6: {  	v28 =	vadd.s32 v50, v40;
	v12 =	vld.idx.msk [tilespmem:v16+s24+$0x0], $0xffff;
	v16 =	vadd.s32 s6, v21;
	v6 =	vadd.f32 v6, v8  }
0xf7: {  	v8 =	vadd.s32 s5, v13;
	v4 =	vld.idx.msk [tilespmem:v4+s24+$0x0], $0xffff;
	v16 =	vadd.s32 v61, v16;
	v2 =	vadd.f32 v14, v2  }
0xf8: {  	v26 =	vadd.s32 s6, v17;
	v8 =	vadd.s32 v52, v8;
	v14 =	vld.idx.msk [tilespmem:v20+s24+$0x0], $0xffff;
	v20 =	vadd.s32 s6, v15  }
0xf9: {  	v20 =	vadd.s32 v30, v20;
	v2 =	vadd.f32 v18, v2;
	v30 =	vld.idx.msk [tilespmem:v10+s24+$0x0], $0xffff;
	v10 =	vadd.s32 $0x980, v36  }
0xfa: {  	v54 =	vmovc v32;
	v24 =	vld.idx.msk [tilespmem:v24+s24+$0x0], $0xffff;
	v0 =	vadd.f32 v0, v6;
	v6 =	vadd.s32 s5, v3;
	v26 =	vadd.s32 v10, v26  }
0xfb: {  	[tilespmem:$0x1FD20] =	vst v10;
	v10 =	vld.idx.msk [tilespmem:v28+s24+$0x0], $0xffff;
	v32 =	vadd.s32 v51, v6;
	v6 =	vadd.s32 s6, v42;
	v2 =	vadd.f32 v12, v2  }
0xfc: {  	v40 =	vimm.f32 $0.0e+00;
	v44 =	vld.idx.msk [tilespmem:v16+s24+$0x0], $0xffff;
	v0 =	vadd.f32 v4, v0;
	v28 =	vadd.s32 v41, v6  }
0xfd: {  	v12 =	vld.idx.msk [tilespmem:v8+s24+$0x0], $0xffff;
	v8 =	vadd.s32 s6, v49;
	v6 =	vadd.s32 s5, v23;
	v2 =	vadd.f32 v14, v2  }
0xfe: {  	v4 =	vld.idx.msk [tilespmem:v20+s24+$0x0], $0xffff;
	v18 =	vadd.s32 v45, v6;
	v6 =	vadd.s32 s5, v37;
	v0 =	vadd.f32 v22, v0  }
0xff: {  	s7 =	simm.s32 $0x2;
	v20 =	vadd.s32 v53, v6;
	v22 =	vadd.s32 v41, v8;
	v2 =	vadd.f32 v30, v2;
	v6 =	vld.idx.msk [tilespmem:v26+s24+$0x0], $0xffff  }
0x100: {  	v62 =	vmovc v34;
	v60 =	vmovc v42;
	v26 =	vadd.s32 s7, v59;
	v24 =	vadd.f32 v24, v0;
	v14 =	vld.idx.msk [tilespmem:v32+s24+$0x0], $0xffff;
	v0 =	vadd.s32 s5, v25  }
0x101: {  	s8 =	simm.s32 $0x3;
	v63 =	vmovc v49;
	s6 =	sshll.u32 s26, $0x1;
	v49 =	vmovc v45;
	v16 =	vadd.s32 v54, v0;
	v0 =	vld.idx.msk [tilespmem:v28+s22+$0x0], $0xffff;
	v8 =	vadd.f32 v44, v2;
	v2 =	vimm.f32 $0.0e+00  }
.LBB2_3:
0x102: {  	v10 =	vadd.f32 v10, v24  }
0x103: {  	v26 =	vadd.s32 v36, v26;
	v18 =	vld.idx.msk [tilespmem:v18+s24+$0x0], $0xffff;
	v28 =	vadd.s32 s7, v1;
	v24 =	vadd.s32 s5, v27  }
0x104: {  	v24 =	vadd.s32 v46, v24;
	v4 =	vadd.f32 v4, v8;
	v10 =	vadd.f32 v12, v10  }
0x105: {  	v8 =	vadd.s32 v38, v28;
	v12 =	vld.idx.msk [tilespmem:v20+s24+$0x0], $0xffff;
	v20 =	vadd.s32 s5, v29;
	v28 =	vadd.s32 s7, v5  }
0x106: {  	v45 =	vld [tilespmem:$0x1FFB0];
	v20 =	vadd.s32 v55, v20;
	v4 =	vadd.f32 v6, v4;
	v10 =	vadd.f32 v14, v10  }
0x107: {  	v6 =	vadd.s32 v39, v28;
	v14 =	vld.idx.msk [tilespmem:v16+s24+$0x0], $0xffff;
	v16 =	vadd.s32 s5, v31;
	v28 =	vadd.s32 s7, v7  }
0x108: {  	v26 =	vld.idx.msk [tilespmem:v26+s24+$0x0], $0xffff;
	v16 =	vadd.s32 v56, v16;
	v4 =	vmul.f32 v4, v0;
	v10 =	vadd.f32 v18, v10  }
0x109: {  	v30 =	vadd.s32 s7, v9;
	v28 =	vadd.s32 v62, v28;
	v18 =	vld.idx.msk [tilespmem:v24+s24+$0x0], $0xffff  }
0x10a: {  	v8 =	vld.idx.msk [tilespmem:v8+s24+$0x0], $0xffff;
	v40 =	vadd.f32 v4, v40;
	v4 =	vadd.s32 v47, v30;
	v10 =	vadd.f32 v12, v10  }
0x10b: {  	v24 =	vadd.s32 s5, v33;
	v12 =	vld.idx.msk [tilespmem:v20+s24+$0x0], $0xffff  }
0x10c: {  	v24 =	vadd.s32 v57, v24;
	v20 =	vadd.s32 s5, v35;
	v6 =	vld.idx.msk [tilespmem:v6+s24+$0x0], $0xffff;
	v10 =	vadd.f32 v14, v10  }
0x10d: {  	v30 =	vadd.s32 s7, v19;
	v26 =	vadd.f32 $0.0e+00, v26;
	v20 =	vadd.s32 v58, v20;
	v14 =	vld.idx.msk [tilespmem:v16+s24+$0x0], $0xffff  }
0x10e: {  	v30 =	vadd.s32 v48, v30;
	v16 =	vadd.s32 s5, v21;
	v28 =	vld.idx.msk [tilespmem:v28+s24+$0x0], $0xffff;
	v10 =	vadd.f32 v18, v10  }
0x10f: {  	v43 =	vmovc v36;
	v18 =	vadd.s32 s5, v15;
	v8 =	vadd.f32 v8, v26;
	v26 =	vld.idx.msk [tilespmem:v4+s24+$0x0], $0xffff;
	v4 =	vadd.s32 s7, v13  }
0x110: {  	v36 =	vadd.s32 v45, v18;
	v45 =	vmovc v39;
	v39 =	vadd.s32 v52, v4;
	v4 =	vadd.f32 v12, v10;
	v12 =	vld [tilespmem:$0x1FD20]  }
0x111: {  	v16 =	vadd.s32 v61, v16  }
0x112: {  	v34 =	vadd.s32 s7, v11;
	v24 =	vld.idx.msk [tilespmem:v24+s24+$0x0], $0xffff  }
0x113: {  	v22 =	vld.idx.msk [tilespmem:v22+s23+$0x0], $0xffff;
	v34 =	vadd.s32 v50, v34;
	v6 =	vadd.f32 v6, v8  }
0x114: {  	v32 =	vadd.s32 s5, v17;
	v44 =	vmov v38;
	v38 =	vld.idx.msk [tilespmem:v20+s24+$0x0], $0xffff;
	v10 =	vadd.s32 s7, v3  }
0x115: {  	v8 =	vld.idx.msk [tilespmem:v30+s24+$0x0], $0xffff;
	v4 =	vadd.f32 v14, v4;
	v6 =	vadd.f32 v28, v6;
	v30 =	vadd.s32 v12, v32  }
0x116: {  	v42 =	vld.idx.msk [tilespmem:v16+s24+$0x0], $0xffff;
	v14 =	vadd.s32 s7, v23;
	v32 =	vadd.s32 v51, v10;
	v12 =	vadd.s32 s5, v60  }
0x117: {  	p0 =	sne.s32 s8, $0x1F;
	v18 =	vadd.s32 v49, v14;
	v14 =	vadd.f32 v24, v4;
	v4 =	vld.idx.msk [tilespmem:v36+s24+$0x0], $0xffff;
	v28 =	vadd.s32 v41, v12  }
.Ltmp0:
0x118: {  	v0 =	vmul.f32 v22, v0;
	v22 =	vadd.s32 s5, v63;
	v10 =	vld.idx.msk [tilespmem:v34+s24+$0x0], $0xffff;
	(pc) =	sbr.rel @p0 .LBB2_3-.Ltmp0, $4  }
0x119: {  	v22 =	vadd.s32 v41, v22;
	v16 =	vadd.f32 v26, v6;
	v6 =	vadd.s32 s7, v37;
	v12 =	vld.idx.msk [tilespmem:v39+s24+$0x0], $0xffff  }
0x11a: {  	v2 =	vadd.f32 v0, v2;
	s5 =	smov.u32 s7;
	v20 =	vadd.s32 v53, v6;
	v34 =	vadd.f32 v38, v14;
	v6 =	vld.idx.msk [tilespmem:v30+s24+$0x0], $0xffff  }
0x11b: {  	v36 =	vmovc v43;
	s7 =	smov.u32 s8;
	v39 =	vmov v45;
	v24 =	vadd.f32 v8, v16;
	v0 =	vadd.s32 s5, v25;
	v14 =	vld.idx.msk [tilespmem:v32+s24+$0x0], $0xffff  }
0x11c: {  	s8 =	sadd.s32 $0x1, s8;
	v38 =	vmovc v44;
	v26 =	vadd.s32 s7, v59;
	v16 =	vadd.s32 v54, v0;
	v8 =	vadd.f32 v42, v34;
	v0 =	vld.idx.msk [tilespmem:v28+s22+$0x0], $0xffff  }
0x11d: {  	v26 =	vadd.s32 v36, v26  }
0x11e: {  	v1 =	vadd.s32 s7, v1  }
0x11f: {  	v1 =	vadd.s32 v38, v1  }
0x120: {  	v5 =	vadd.s32 s7, v5  }
0x121: {  	v5 =	vadd.s32 v39, v5  }
0x122: {  	v7 =	vadd.s32 s7, v7;
	v26 =	vld.idx.msk [tilespmem:v26+s24+$0x0], $0xffff  }
0x123: {  	v7 =	vadd.s32 v62, v7  }
0x124: {  	v9 =	vadd.s32 s7, v9;
	v1 =	vld.idx.msk [tilespmem:v1+s24+$0x0], $0xffff  }
0x125: {  	v9 =	vadd.s32 v47, v9  }
0x126: {  	v19 =	vadd.s32 s7, v19;
	v5 =	vld.idx.msk [tilespmem:v5+s24+$0x0], $0xffff  }
0x127: {  	v19 =	vadd.s32 v48, v19;
	v26 =	vadd.f32 $0.0e+00, v26  }
0x128: {  	v11 =	vadd.s32 s7, v11;
	v7 =	vld.idx.msk [tilespmem:v7+s24+$0x0], $0xffff  }
0x129: {  	v11 =	vadd.s32 v50, v11;
	v1 =	vadd.f32 v1, v26  }
0x12a: {  	v13 =	vadd.s32 s7, v13;
	v9 =	vld.idx.msk [tilespmem:v9+s24+$0x0], $0xffff  }
0x12b: {  	v13 =	vadd.s32 v52, v13;
	v1 =	vadd.f32 v5, v1  }
0x12c: {  	v3 =	vadd.s32 s7, v3;
	v5 =	vld.idx.msk [tilespmem:v19+s24+$0x0], $0xffff  }
0x12d: {  	v3 =	vadd.s32 v51, v3;
	v1 =	vadd.f32 v7, v1  }
0x12e: {  	v7 =	vld.idx.msk [tilespmem:v11+s24+$0x0], $0xffff  }
0x12f: {  	v19 =	vadd.s32 s5, v27;
	v1 =	vadd.f32 v9, v1  }
0x130: {  	v11 =	vadd.s32 s7, v23;
	v9 =	vadd.f32 v10, v24;
	v10 =	vld.idx.msk [tilespmem:v13+s24+$0x0], $0xffff;
	v13 =	vadd.s32 s7, v37  }
0x131: {  	v18 =	vld.idx.msk [tilespmem:v18+s24+$0x0], $0xffff;
	v11 =	vadd.s32 v49, v11;
	v13 =	vadd.s32 v53, v13;
	v1 =	vadd.f32 v5, v1  }
0x132: {  	v3 =	vld.idx.msk [tilespmem:v3+s24+$0x0], $0xffff;
	v5 =	vadd.s32 v46, v19;
	v9 =	vadd.f32 v12, v9;
	v12 =	vadd.s32 s7, v25  }
0x133: {  	v20 =	vld.idx.msk [tilespmem:v20+s24+$0x0], $0xffff;
	v19 =	vadd.s32 s5, v29;
	v12 =	vadd.s32 v54, v12;
	v1 =	vadd.f32 v7, v1  }
0x134: {  	v16 =	vld.idx.msk [tilespmem:v16+s24+$0x0], $0xffff;
	v7 =	vadd.s32 v55, v19;
	v9 =	vadd.f32 v14, v9;
	v14 =	vadd.s32 s7, v27  }
0x135: {  	v23 =	vld [tilespmem:$0x1FFB0];
	v19 =	vadd.s32 s5, v31;
	v14 =	vadd.s32 v46, v14;
	v1 =	vadd.f32 v10, v1  }
0x136: {  	v11 =	vld.idx.msk [tilespmem:v11+s24+$0x0], $0xffff;
	v10 =	vadd.s32 v56, v19;
	v9 =	vadd.f32 v18, v9;
	v18 =	vadd.s32 s7, v29  }
0x137: {  	v19 =	vadd.s32 s5, v33;
	v5 =	vld.idx.msk [tilespmem:v5+s24+$0x0], $0xffff;
	v18 =	vadd.s32 v55, v18;
	v1 =	vadd.f32 v3, v1  }
0x138: {  	v13 =	vld.idx.msk [tilespmem:v13+s24+$0x0], $0xffff;
	v3 =	vadd.s32 v57, v19;
	v9 =	vadd.f32 v20, v9;
	v19 =	vadd.s32 s7, v31  }
0x139: {  	v7 =	vld.idx.msk [tilespmem:v7+s24+$0x0], $0xffff;
	v19 =	vadd.s32 v56, v19  }
0x13a: {  	v12 =	vld.idx.msk [tilespmem:v12+s24+$0x0], $0xffff;
	v9 =	vadd.f32 v16, v9  }
0x13b: {  	v14 =	vld.idx.msk [tilespmem:v14+s24+$0x0], $0xffff  }
0x13c: {  	v20 =	vadd.s32 s5, v35;
	v1 =	vadd.f32 v11, v1;
	v10 =	vld.idx.msk [tilespmem:v10+s24+$0x0], $0xffff;
	v5 =	vadd.f32 v5, v9  }
0x13d: {  	v11 =	vadd.s32 v58, v20;
	v16 =	vadd.s32 s7, v33;
	v20 =	vadd.s32 s5, v21;
	v9 =	vld.idx.msk [tilespmem:v18+s24+$0x0], $0xffff  }
0x13e: {  	v16 =	vadd.s32 v57, v16;
	v1 =	vadd.f32 v13, v1;
	v5 =	vadd.f32 v7, v5;
	v7 =	vld.idx.msk [tilespmem:v19+s24+$0x0], $0xffff  }
0x13f: {  	v13 =	vadd.s32 v61, v20;
	v18 =	vadd.s32 s7, v35;
	v19 =	vadd.s32 s7, v21;
	v21 =	vld [tilespmem:$0x1FD20]  }
0x140: {  	v20 =	vadd.s32 s5, v15;
	v3 =	vld.idx.msk [tilespmem:v3+s24+$0x0], $0xffff;
	v18 =	vadd.s32 v58, v18;
	v1 =	vadd.f32 v12, v1  }
0x141: {  	v22 =	vld.idx.msk [tilespmem:v22+s23+$0x0], $0xffff;
	v4 =	vadd.f32 v4, v8;
	v12 =	vadd.s32 v23, v20  }
0x142: {  	v15 =	vadd.s32 s7, v15;
	v11 =	vld.idx.msk [tilespmem:v11+s24+$0x0], $0xffff;
	v19 =	vadd.s32 v61, v19;
	v1 =	vadd.f32 v14, v1  }
0x143: {  	v15 =	vadd.s32 v23, v15;
	v20 =	vadd.s32 s5, v17;
	v5 =	vadd.f32 v10, v5;
	v10 =	vld.idx.msk [tilespmem:v16+s24+$0x0], $0xffff  }
0x144: {  	v16 =	vadd.s32 s5, v60;
	v13 =	vld.idx.msk [tilespmem:v13+s24+$0x0], $0xffff;
	v1 =	vadd.f32 v9, v1;
	v14 =	vadd.s32 v21, v20  }
0x145: {  	v9 =	vadd.s32 v41, v16;
	v3 =	vadd.f32 v3, v5;
	v5 =	vadd.s32 s7, v17;
	v16 =	vld.idx.msk [tilespmem:v18+s24+$0x0], $0xffff  }
0x146: {  	v17 =	vadd.s32 s5, v63;
	v12 =	vld.idx.msk [tilespmem:v12+s24+$0x0], $0xffff;
	v5 =	vadd.s32 v21, v5;
	v1 =	vadd.f32 v7, v1  }
0x147: {  	v3 =	vadd.f32 v11, v3;
	v7 =	vadd.s32 v41, v17;
	v11 =	vadd.s32 s7, v60;
	v17 =	vld.idx.msk [tilespmem:v19+s24+$0x0], $0xffff  }
0x148: {  	v8 =	vld.idx.msk [tilespmem:v15+s24+$0x0], $0xffff;
	v11 =	vadd.s32 v41, v11;
	v1 =	vadd.f32 v10, v1;
	v10 =	vadd.s32 s7, v63  }
0x149: {  	v10 =	vadd.s32 v41, v10;
	v14 =	vld.idx.msk [tilespmem:v14+s24+$0x0], $0xffff  }
0x14a: {  	v3 =	vadd.f32 v13, v3;
	v9 =	vld.idx.msk [tilespmem:v9+s22+$0x0], $0xffff;
	v1 =	vadd.f32 v16, v1  }
0x14b: {  	v4 =	vadd.f32 v6, v4;
	v5 =	vld.idx.msk [tilespmem:v5+s24+$0x0], $0xffff  }
0x14c: {  	v3 =	vadd.f32 v12, v3;
	v6 =	vld.idx.msk [tilespmem:v7+s23+$0x0], $0xffff;
	v1 =	vadd.f32 v17, v1  }
0x14d: {  	v7 =	vld.idx.msk [tilespmem:v11+s22+$0x0], $0xffff  }
0x14e: {  	v4 =	vmul.f32 v4, v0;
	v1 =	vadd.f32 v8, v1;
	v8 =	vld.idx.msk [tilespmem:v10+s23+$0x0], $0xffff;
	v3 =	vadd.f32 v14, v3  }
0x14f: {  	v0 =	vmul.f32 v22, v0  }
0x150: {  	v4 =	vadd.f32 v4, v40;
	v1 =	vadd.f32 v5, v1;
	v3 =	vmul.f32 v3, v9  }
0x151: {  	v0 =	vadd.f32 v0, v2;
	v2 =	vmul.f32 v6, v9  }
0x152: {  	v1 =	vmul.f32 v1, v7;
	v3 =	vadd.f32 v3, v4  }
0x153: {  	v0 =	vadd.f32 v2, v0;
	v2 =	vmul.f32 v8, v7  }
0x154: {  	v1 =	vadd.f32 v1, v3  }
0x155: {  	v0 =	vadd.f32 v2, v0  }
0x156: {  	p0 =	seq.s32 s26, $0xF;
	v1 =	vsub.f32 $0.0e+00, v1  }
0x157: {  	s5 =	sadd.s32 @!p0 $0x2, s6;
	[tilespmem:s0+$0x1B800] =	vst v0  }
0x158: {  	s6 =	simm.s32 @!p0 $0x10;
	s7 =	simm.s32 @!p0 $0x5800;
	[tilespmem:s0+$0x1BA00] =	vst v1;
	s0 =	sshll.u32 @!p0 s5, $0x4  }
0x159: {  	[tilespmem:s7], [sflag:$0x1] =	stream.indirect.gather @!p0 [hbm4b:s3+s6], $0x80, s0, s6, $0xb8;
	[tilespmem:$0x1BC00] =	vst v63  }
0x15a: {  	s5 =	smul.u32 @!p0 $0x500, s5;
	s0 =	sadd.s32 @!p0 $0x200, s0;
	s7 =	simm.s32 @!p0 $0x6000  }
0x15b: {  	[tilespmem:s7], [sflag:$0x1] =	stream.indirect.gather @!p0 [hbm4b:s4+s6], $0x80, s0, s6, $0xb8;
	[tilespmem:$0x1BC00] =	vst v63  }
0x15c: {  	s0 =	sshra.s32 @!p0 s5, $0x2  }
0x15d: {  	s6 =	simm.s32 @!p0 $0x80;
	s7 =	simm.s32 @!p0 $0x6800;
	s5 =	sadd.s32 @!p0 $0x400, s0  }
0x15e: {  	[tilespmem:s7], [sflag:$0x1] =	stream.indirect.gather @!p0 [hbm4b:s4+s6], $0x80, s5, s6, $0xb8;
	[tilespmem:$0x1BC00] =	vst v63  }
0x15f: {  	s5 =	sadd.s32 @!p0 $0x480, s0;
	s7 =	simm.s32 @!p0 $0xA800  }
0x160: {  	[tilespmem:s7], [sflag:$0x1] =	stream.indirect.gather @!p0 [hbm4b:s4+s6], $0x80, s5, s6, $0xb8;
	[tilespmem:$0x1BC00] =	vst v63  }
0x161: {  	s0 =	sadd.s32 @!p0 $0x500, s0;
	s5 =	simm.s32 @!p0 $0x40;
	s6 =	simm.s32 @!p0 $0xE800  }
0x162: {  	[tilespmem:s6], [sflag:$0x1] =	stream.indirect.gather @!p0 [hbm4b:s4+s5], $0x80, s0, s5, $0xb8;
	[tilespmem:$0x1BC00] =	vst v63  }
0x163: {  	_ =	swait.ge [sflag:s25], $0x800  }
0x164: {  	[sflag:s25] =	ssyncset.done $0x0  }
0x165: {  	[sflag:s25] =	ssyncadd.s32 $0xFFFFF800  }
0x166: {  	_ =	swait.ge [sflag:s25], $0x800  }
0x167: {  	[sflag:s25] =	ssyncset.done $0x0  }
0x168: {  	[sflag:s25] =	ssyncadd.s32 $0xFFFFF800  }
0x169: {  	_ =	swait.ge [sflag:s25], $0x4000  }
0x16a: {  	[sflag:s25] =	ssyncset.done $0x0  }
0x16b: {  	[sflag:s25] =	ssyncadd.s32 $0xFFFFC000  }
0x16c: {  	_ =	swait.ge [sflag:s25], $0x4000  }
0x16d: {  	[sflag:s25] =	ssyncset.done $0x0  }
0x16e: {  	v0 =	vmov s29;
	v1 =	vld [tilespmem:$0x1FFA0];
	[sflag:s25] =	ssyncadd.s32 $0xFFFFC000  }
0x16f: {  	v0 =	vmul.u32 $0x14, v0;
	_ =	swait.ge [sflag:s25], $0x2000  }
0x170: {  	v2 =	vld [tilespmem:$0x1FD40]  }
0x171: {  	v0 =	vbroadcast v0, $0x0  }
0x172: {  	v3 =	vld [tilespmem:$0x1FD60]  }
0x173: {  	v1 =	vadd.s32 v1, v0;
	_ =	sdelay $0x1  }
0x174: {  	v4 =	vld [tilespmem:$0x1FD80];
	v2 =	vadd.s32 v2, v0  }
0x175: {  	[sflag:s25] =	ssyncset.done $0x0;
	v5 =	vld [tilespmem:$0x1FDC0]  }
0x176: {  	v6 =	vld [tilespmem:$0x1FE00];
	[sflag:s25] =	ssyncadd.s32 $0xFFFFE000;
	v3 =	vadd.s32 v3, v0  }
0x177: {  	v27 =	vld.idx.msk [tilespmem:v1+s20+$0x0], $0xffff  }
0x178: {  	v1 =	vld [tilespmem:$0x1FDA0]  }
0x179: {  	v31 =	vld.idx.msk [tilespmem:v2+s20+$0x0], $0xffff  }
0x17a: {  	v4 =	vadd.s32 v4, v0;
	v2 =	vld [tilespmem:$0x1FDE0]  }
0x17b: {  	v5 =	vadd.s32 v5, v0;
	v40 =	vld.idx.msk [tilespmem:v3+s20+$0x0], $0xffff  }
0x17c: {  	v6 =	vadd.s32 v6, v0;
	v3 =	vld [tilespmem:$0x1FE20]  }
0x17d: {  	v1 =	vadd.s32 v1, v0;
	_ =	sdelay $0x1  }
0x17e: {  	v37 =	vld.idx.msk [tilespmem:v4+s20+$0x0], $0xffff;
	v2 =	vadd.s32 v2, v0  }
0x17f: {  	v35 =	vld.idx.msk [tilespmem:v5+s20+$0x0], $0xffff  }
0x180: {  	s8 =	simm.s32 $0x0;
	v25 =	vld.idx.msk [tilespmem:v6+s20+$0x0], $0xffff;
	v3 =	vadd.s32 v3, v0  }
0x181: {  	v4 =	vadd.s32 s8, v27;
	v33 =	vld.idx.msk [tilespmem:v1+s20+$0x0], $0xffff  }
0x182: {  	v1 =	vadd.s32 v36, v4;
	v4 =	vld [tilespmem:$0x1FE40]  }
0x183: {  	v5 =	vadd.s32 s8, v31;
	v29 =	vld.idx.msk [tilespmem:v2+s20+$0x0], $0xffff  }
0x184: {  	v2 =	vadd.s32 v38, v5;
	v5 =	vld [tilespmem:$0x1FE60]  }
0x185: {  	v6 =	vadd.s32 s8, v40;
	v19 =	vld.idx.msk [tilespmem:v3+s20+$0x0], $0xffff  }
0x186: {  	v3 =	vadd.s32 v39, v6;
	v6 =	vld [tilespmem:$0x1FE80]  }
0x187: {  	v61 =	vld [tilespmem:$0x1FFC0];
	v4 =	vadd.s32 v4, v0  }
0x188: {  	v34 =	vmov v47;
	v46 =	vmov v47;
	v47 =	vld [tilespmem:$0x1FFD0]  }
0x189: {  	v1 =	vld.idx.msk [tilespmem:v1+s2+$0x0], $0xffff;
	v5 =	vadd.s32 v5, v0  }
0x18a: {  	v2 =	vld.idx.msk [tilespmem:v2+s2+$0x0], $0xffff  }
0x18b: {  	v6 =	vadd.s32 v6, v0;
	v3 =	vld.idx.msk [tilespmem:v3+s2+$0x0], $0xffff  }
0x18c: {  	v42 =	vmov v62;
	v7 =	vadd.s32 s8, v37;
	v23 =	vld.idx.msk [tilespmem:v4+s20+$0x0], $0xffff  }
0x18d: {  	v4 =	vadd.s32 v42, v7;
	v7 =	vld [tilespmem:$0x1FEA0]  }
0x18e: {  	v8 =	vadd.s32 s8, v33;
	v21 =	vld.idx.msk [tilespmem:v5+s20+$0x0], $0xffff  }
0x18f: {  	v5 =	vadd.s32 v34, v8;
	v8 =	vld [tilespmem:$0x1FEC0]  }
0x190: {  	v9 =	vadd.s32 s8, v35;
	v1 =	vadd.f32 $0.0e+00, v1;
	v17 =	vld.idx.msk [tilespmem:v6+s20+$0x0], $0xffff  }
0x191: {  	v6 =	vadd.s32 v48, v9;
	v9 =	vld [tilespmem:$0x1FEE0]  }
0x192: {  	v1 =	vadd.f32 v2, v1;
	v2 =	vld [tilespmem:$0x1FF00]  }
0x193: {  	v59 =	vld [tilespmem:$0x1FFE0];
	v7 =	vadd.s32 v7, v0  }
0x194: {  	v4 =	vld.idx.msk [tilespmem:v4+s2+$0x0], $0xffff  }
0x195: {  	v1 =	vadd.f32 v3, v1;
	v3 =	vld [tilespmem:$0x1FF20];
	v8 =	vadd.s32 v8, v0  }
0x196: {  	v9 =	vadd.s32 v9, v0;
	v5 =	vld.idx.msk [tilespmem:v5+s2+$0x0], $0xffff  }
0x197: {  	v2 =	vadd.s32 v2, v0;
	v6 =	vld.idx.msk [tilespmem:v6+s2+$0x0], $0xffff  }
0x198: {  	v10 =	vadd.s32 s8, v29;
	v15 =	vld.idx.msk [tilespmem:v7+s20+$0x0], $0xffff  }
0x199: {  	v7 =	vadd.s32 v50, v10;
	v1 =	vadd.f32 v4, v1;
	v4 =	vld [tilespmem:$0x1FF40]  }
0x19a: {  	v3 =	vadd.s32 v3, v0;
	v13 =	vld.idx.msk [tilespmem:v8+s20+$0x0], $0xffff  }
0x19b: {  	v11 =	vld.idx.msk [tilespmem:v9+s20+$0x0], $0xffff  }
0x19c: {  	v10 =	vadd.s32 s8, v25;
	v9 =	vld.idx.msk [tilespmem:v2+s20+$0x0], $0xffff  }
0x19d: {  	v8 =	vadd.s32 v52, v10;
	v1 =	vadd.f32 v5, v1;
	v5 =	vld [tilespmem:$0x1FF60]  }
0x19e: {  	v10 =	vadd.s32 s8, v19;
	v12 =	vld.idx.msk [tilespmem:v7+s2+$0x0], $0xffff;
	v7 =	vadd.s32 s8, v23  }
0x19f: {  	v10 =	vadd.s32 v61, v10;
	v2 =	vadd.s32 v49, v7;
	v7 =	vld.idx.msk [tilespmem:v3+s20+$0x0], $0xffff  }
0x1a0: {  	v3 =	vld [tilespmem:$0x1FF80]  }
0x1a1: {  	v28 =	vld [tilespmem:$0x1FFB0]  }
0x1a2: {  	v4 =	vadd.s32 v4, v0;
	v8 =	vld.idx.msk [tilespmem:v8+s2+$0x0], $0xffff  }
0x1a3: {  	v62 =	vld [tilespmem:s29+$0x2C00];
	v1 =	vadd.f32 v6, v1;
	v14 =	vadd.s32 v5, v0;
	v5 =	vadd.s32 s8, v21  }
0x1a4: {  	v16 =	vadd.s32 v53, v5;
	v6 =	vld.idx.msk [tilespmem:v10+s2+$0x0], $0xffff  }
0x1a5: {  	v60 =	vld [tilespmem:s29+$0x2E00];
	v1 =	vadd.f32 v12, v1;
	v0 =	vadd.s32 v3, v0;
	v3 =	vadd.s32 s8, v17  }
0x1a6: {  	v18 =	vadd.s32 s8, v13;
	v2 =	vld.idx.msk [tilespmem:v2+s2+$0x0], $0xffff;
	v10 =	vadd.s32 v54, v3  }
0x1a7: {  	s0 =	simm.s32 $0x1;
	v18 =	vadd.s32 v55, v18;
	v5 =	vld.idx.msk [tilespmem:v4+s20+$0x0], $0xffff;
	v12 =	vadd.s32 s8, v15;
	v8 =	vadd.f32 v8, v1  }
0x1a8: {  	v4 =	vadd.s32 s0, v27;
	v12 =	vadd.s32 v47, v12;
	v3 =	vld.idx.msk [tilespmem:v14+s20+$0x0], $0xffff  }
0x1a9: {  	v4 =	vadd.s32 v36, v4;
	v14 =	vadd.s32 s0, v31;
	v16 =	vld.idx.msk [tilespmem:v16+s2+$0x0], $0xffff;
	v6 =	vadd.f32 v6, v8  }
0x1aa: {  	v20 =	vadd.s32 s0, v37;
	v14 =	vadd.s32 v38, v14;
	v1 =	vld.idx.msk [tilespmem:v0+s20+$0x0], $0xffff;
	v0 =	vadd.s32 s0, v40  }
0x1ab: {  	v0 =	vadd.s32 v39, v0;
	v8 =	vld.idx.msk [tilespmem:v10+s2+$0x0], $0xffff;
	v10 =	vadd.s32 s8, v11;
	v2 =	vadd.f32 v2, v6  }
0x1ac: {  	v18 =	vld.idx.msk [tilespmem:v18+s2+$0x0], $0xffff;
	v6 =	vadd.s32 v42, v20;
	v20 =	vadd.s32 s8, v9;
	v10 =	vadd.s32 v56, v10  }
0x1ad: {  	v12 =	vld.idx.msk [tilespmem:v12+s2+$0x0], $0xffff;
	v20 =	vadd.s32 v57, v20  }
0x1ae: {  	v4 =	vld.idx.msk [tilespmem:v4+s2+$0x0], $0xffff;
	v2 =	vadd.f32 v16, v2  }
0x1af: {  	v24 =	vadd.s32 s0, v35;
	v14 =	vld.idx.msk [tilespmem:v14+s2+$0x0], $0xffff  }
0x1b0: {  	v24 =	vadd.s32 v48, v24;
	v22 =	vadd.s32 s0, v33;
	v0 =	vld.idx.msk [tilespmem:v0+s2+$0x0], $0xffff;
	v2 =	vadd.f32 v8, v2  }
0x1b1: {  	v16 =	vadd.s32 v34, v22;
	v22 =	vadd.s32 s8, v7;
	v8 =	vld.idx.msk [tilespmem:v10+s2+$0x0], $0xffff  }
0x1b2: {  	v22 =	vadd.s32 v58, v22;
	v2 =	vadd.f32 v12, v2;
	v12 =	vld.idx.msk [tilespmem:v20+s2+$0x0], $0xffff;
	v20 =	vadd.s32 s8, v3  }
0x1b3: {  	v4 =	vadd.f32 $0.0e+00, v4;
	v10 =	vadd.s32 s8, v5;
	v20 =	vadd.s32 v28, v20;
	v28 =	vld [tilespmem:$0x1FD20]  }
0x1b4: {  	v26 =	vadd.s32 s0, v29;
	v6 =	vld.idx.msk [tilespmem:v6+s2+$0x0], $0xffff;
	v10 =	vadd.s32 v59, v10  }
0x1b5: {  	v24 =	vld.idx.msk [tilespmem:v24+s2+$0x0], $0xffff;
	v26 =	vadd.s32 v50, v26;
	v4 =	vadd.f32 v14, v4;
	v14 =	vadd.s32 s0, v25  }
0x1b6: {  	v16 =	vld.idx.msk [tilespmem:v16+s2+$0x0], $0xffff;
	v14 =	vadd.s32 v52, v14;
	v2 =	vadd.f32 v18, v2  }
0x1b7: {  	v18 =	vld.idx.msk [tilespmem:v22+s2+$0x0], $0xffff;
	v22 =	vadd.s32 s8, v1;
	v0 =	vadd.f32 v0, v4  }
0x1b8: {  	v34 =	vld [tilespmem:$0x1FFF0];
	v4 =	vadd.s32 s0, v19;
	v2 =	vadd.f32 v8, v2;
	v22 =	vadd.s32 v28, v22  }
0x1b9: {  	v8 =	vld.idx.msk [tilespmem:v10+s2+$0x0], $0xffff;
	v0 =	vadd.f32 v6, v0;
	v28 =	vadd.s32 v61, v4;
	v4 =	vadd.s32 s8, v62  }
0x1ba: {  	v10 =	vld.idx.msk [tilespmem:v26+s2+$0x0], $0xffff;
	v2 =	vadd.f32 v12, v2;
	v30 =	vadd.s32 v41, v4  }
0x1bb: {  	v32 =	vmovc v54;
	v63 =	vimm.f32 $0.0e+00;
	v6 =	vadd.s32 s0, v23;
	v12 =	vld.idx.msk [tilespmem:v14+s2+$0x0], $0xffff;
	v0 =	vadd.f32 v16, v0  }
0x1bc: {  	v42 =	vmovc v32;
	v26 =	vadd.s32 s8, v60;
	v4 =	vld.idx.msk [tilespmem:v20+s2+$0x0], $0xffff;
	v16 =	vadd.s32 s0, v21;
	v2 =	vadd.f32 v18, v2  }
0x1bd: {  	v61 =	vmovc v59;
	v20 =	vadd.s32 v49, v6;
	v24 =	vadd.f32 v24, v0;
	v0 =	vadd.s32 s0, v17;
	v6 =	vld.idx.msk [tilespmem:v22+s2+$0x0], $0xffff  }
0x1be: {  	s5 =	simm.s32 $0x2;
	v16 =	vadd.s32 v53, v16;
	v18 =	vadd.s32 v32, v0;
	v8 =	vadd.f32 v8, v2;
	v14 =	vld.idx.msk [tilespmem:v28+s2+$0x0], $0xffff  }
0x1bf: {  	s6 =	simm.s32 $0x3;
	v2 =	vimm.f32 $0.0e+00;
	v32 =	vmovc v46;
	v46 =	vmovc v47;
	v22 =	vadd.s32 v41, v26;
	v26 =	vadd.s32 s5, v27;
	v0 =	vld.idx.msk [tilespmem:v30+s31+$0x0], $0xffff  }
.LBB2_5:
0x1c0: {  	_ = 	snop  }
0x1c1: {  	v10 =	vadd.f32 v10, v24  }
0x1c2: {  	v26 =	vadd.s32 v36, v26;
	v20 =	vld.idx.msk [tilespmem:v20+s2+$0x0], $0xffff;
	v24 =	vadd.s32 s0, v15  }
0x1c3: {  	v24 =	vadd.s32 v46, v24;
	v10 =	vadd.f32 v12, v10;
	v12 =	vld.idx.msk [tilespmem:v16+s2+$0x0], $0xffff;
	v16 =	vadd.s32 s0, v13  }
0x1c4: {  	v28 =	vadd.s32 s5, v31;
	v22 =	vld.idx.msk [tilespmem:v22+s1+$0x0], $0xffff;
	v4 =	vadd.f32 v4, v8;
	v16 =	vadd.s32 v55, v16  }
0x1c5: {  	v54 =	vld [tilespmem:$0x1FFB0];
	v8 =	vadd.s32 v38, v28;
	v28 =	vadd.s32 s5, v40;
	v10 =	vadd.f32 v14, v10  }
0x1c6: {  	v4 =	vadd.f32 v6, v4;
	v6 =	vadd.s32 v39, v28;
	v14 =	vld.idx.msk [tilespmem:v18+s2+$0x0], $0xffff;
	v18 =	vadd.s32 s0, v11  }
0x1c7: {  	v26 =	vld.idx.msk [tilespmem:v26+s2+$0x0], $0xffff;
	v28 =	vadd.s32 s5, v37;
	v18 =	vadd.s32 v56, v18;
	v10 =	vadd.f32 v20, v10  }
0x1c8: {  	v28 =	vadd.s32 v34, v28;
	v20 =	vld.idx.msk [tilespmem:v24+s2+$0x0], $0xffff;
	v24 =	vadd.s32 s0, v9  }
0x1c9: {  	v24 =	vadd.s32 v57, v24;
	v10 =	vadd.f32 v12, v10;
	v12 =	vld.idx.msk [tilespmem:v16+s2+$0x0], $0xffff;
	v16 =	vadd.s32 s0, v7  }
0x1ca: {  	v4 =	vmul.f32 v4, v0;
	v8 =	vld.idx.msk [tilespmem:v8+s2+$0x0], $0xffff;
	v16 =	vadd.s32 v58, v16  }
0x1cb: {  	v30 =	vadd.s32 s5, v33;
	v6 =	vld.idx.msk [tilespmem:v6+s2+$0x0], $0xffff  }
0x1cc: {  	v63 =	vadd.f32 v4, v63;
	v4 =	vadd.s32 v32, v30;
	v10 =	vadd.f32 v14, v10;
	v14 =	vld.idx.msk [tilespmem:v18+s2+$0x0], $0xffff  }
0x1cd: {  	v30 =	vadd.s32 s5, v35;
	v28 =	vld.idx.msk [tilespmem:v28+s2+$0x0], $0xffff  }
0x1ce: {  	v0 =	vmul.f32 v22, v0;
	v22 =	vadd.s32 v48, v30;
	v30 =	vadd.s32 s5, v29;
	v24 =	vld.idx.msk [tilespmem:v24+s2+$0x0], $0xffff  }
0x1cf: {  	v26 =	vadd.f32 $0.0e+00, v26;
	v18 =	vadd.s32 s0, v5;
	v30 =	vadd.s32 v50, v30;
	v36 =	vld.idx.msk [tilespmem:v16+s2+$0x0], $0xffff  }
0x1d0: {  	v18 =	vadd.s32 v61, v18;
	v10 =	vadd.f32 v20, v10;
	v20 =	vadd.s32 s0, v3;
	v16 =	vld [tilespmem:$0x1FD20]  }
0x1d1: {  	v47 =	vmovc v32;
	v8 =	vadd.f32 v8, v26;
	v26 =	vld.idx.msk [tilespmem:v4+s2+$0x0], $0xffff;
	v4 =	vadd.s32 s5, v25;
	v32 =	vadd.s32 v54, v20  }
0x1d2: {  	v54 =	vmovc v58;
	v58 =	vmovc v57;
	v57 =	vmov v56;
	v59 =	vadd.s32 v52, v4;
	v4 =	vadd.f32 v12, v10  }
0x1d3: {  	v56 =	vmovc v55;
	v55 =	vmovc v46;
	v10 =	vadd.s32 s0, v1;
	v6 =	vadd.f32 v6, v8;
	v12 =	vadd.s32 s5, v19  }
0x1d4: {  	v46 =	vmovc v34;
	v8 =	vld.idx.msk [tilespmem:v22+s2+$0x0], $0xffff;
	v38 =	vadd.s32 v51, v12;
	v12 =	vadd.s32 s0, v62;
	v4 =	vadd.f32 v14, v4  }
0x1d5: {  	v39 =	vld.idx.msk [tilespmem:v18+s2+$0x0], $0xffff;
	v6 =	vadd.f32 v28, v6;
	v14 =	vadd.s32 s5, v23;
	v22 =	vadd.s32 v16, v10  }
0x1d6: {  	p0 =	sne.s32 s6, $0x1F;
	v28 =	vadd.s32 v41, v12;
	v20 =	vadd.s32 v49, v14;
	v14 =	vadd.f32 v24, v4;
	v4 =	vld.idx.msk [tilespmem:v32+s2+$0x0], $0xffff  }
.Ltmp1:
0x1d7: {  	v2 =	vadd.f32 v0, v2;
	v34 =	vmovc v46;
	v46 =	vmovc v55;
	v55 =	vmov v56;
	v18 =	vadd.s32 s0, v60;
	v10 =	vld.idx.msk [tilespmem:v30+s2+$0x0], $0xffff;
	(pc) =	sbr.rel @p0 .LBB2_5-.Ltmp1, $4  }
0x1d8: {  	v56 =	vmovc v57;
	s0 =	smov.u32 s5;
	v0 =	vadd.f32 v26, v6;
	v6 =	vadd.s32 s5, v21;
	s5 =	smov.u32 s6;
	v12 =	vld.idx.msk [tilespmem:v59+s2+$0x0], $0xffff;
	v30 =	vadd.f32 v36, v14  }
0x1d9: {  	v57 =	vmovc v58;
	v58 =	vmovc v54;
	v32 =	vmov v47;
	v16 =	vadd.s32 v53, v6;
	v26 =	vadd.s32 s5, v27;
	v14 =	vld.idx.msk [tilespmem:v38+s2+$0x0], $0xffff  }
0x1da: {  	v36 =	vmovc v43;
	v24 =	vadd.f32 v8, v0;
	v0 =	vadd.s32 s0, v17;
	v8 =	vadd.f32 v39, v30;
	v6 =	vld.idx.msk [tilespmem:v22+s2+$0x0], $0xffff  }
0x1db: {  	s6 =	sadd.s32 $0x1, s6;
	v38 =	vmovc v44;
	v39 =	vmov v45;
	v22 =	vadd.s32 v41, v18;
	v18 =	vadd.s32 v42, v0;
	v0 =	vld.idx.msk [tilespmem:v28+s31+$0x0], $0xffff  }
0x1dc: {  	v26 =	vadd.s32 v36, v26  }
0x1dd: {  	v27 =	vadd.s32 s5, v31  }
0x1de: {  	v27 =	vadd.s32 v38, v27  }
0x1df: {  	v28 =	vadd.s32 s5, v40  }
0x1e0: {  	v28 =	vadd.s32 v39, v28  }
0x1e1: {  	v30 =	vadd.s32 s5, v37;
	v26 =	vld.idx.msk [tilespmem:v26+s2+$0x0], $0xffff  }
0x1e2: {  	v30 =	vadd.s32 v34, v30  }
0x1e3: {  	v31 =	vadd.s32 s5, v33;
	v27 =	vld.idx.msk [tilespmem:v27+s2+$0x0], $0xffff  }
0x1e4: {  	v31 =	vadd.s32 v32, v31  }
0x1e5: {  	v37 =	vadd.s32 s5, v35;
	v28 =	vld.idx.msk [tilespmem:v28+s2+$0x0], $0xffff  }
0x1e6: {  	v32 =	vadd.s32 v48, v37;
	v26 =	vadd.f32 $0.0e+00, v26  }
0x1e7: {  	v29 =	vadd.s32 s5, v29;
	v30 =	vld.idx.msk [tilespmem:v30+s2+$0x0], $0xffff  }
0x1e8: {  	v29 =	vadd.s32 v50, v29;
	v26 =	vadd.f32 v27, v26  }
0x1e9: {  	v25 =	vadd.s32 s5, v25;
	v40 =	vld.idx.msk [tilespmem:v31+s2+$0x0], $0xffff  }
0x1ea: {  	v20 =	vld.idx.msk [tilespmem:v20+s2+$0x0], $0xffff;
	v25 =	vadd.s32 v52, v25;
	v26 =	vadd.f32 v28, v26  }
0x1eb: {  	v19 =	vadd.s32 s5, v19;
	v23 =	vadd.s32 s5, v23;
	v28 =	vld.idx.msk [tilespmem:v32+s2+$0x0], $0xffff  }
0x1ec: {  	v10 =	vadd.f32 v10, v24;
	v16 =	vld.idx.msk [tilespmem:v16+s2+$0x0], $0xffff;
	v19 =	vadd.s32 v51, v19;
	v26 =	vadd.f32 v30, v26  }
0x1ed: {  	v21 =	vadd.s32 s5, v21;
	v44 =	vadd.s32 s0, v15;
	v23 =	vadd.s32 v49, v23;
	v29 =	vld.idx.msk [tilespmem:v29+s2+$0x0], $0xffff  }
0x1ee: {  	v22 =	vld.idx.msk [tilespmem:v22+s1+$0x0], $0xffff;
	v15 =	vadd.s32 s5, v15;
	v21 =	vadd.s32 v53, v21;
	v26 =	vadd.f32 v40, v26  }
0x1ef: {  	v45 =	vmovc v49;
	v49 =	vadd.s32 s0, v13;
	v15 =	vadd.s32 v46, v15;
	v13 =	vadd.s32 s5, v13;
	v43 =	vld.idx.msk [tilespmem:v25+s2+$0x0], $0xffff  }
0x1f0: {  	v18 =	vld.idx.msk [tilespmem:v18+s2+$0x0], $0xffff;
	v10 =	vadd.f32 v12, v10;
	v13 =	vadd.s32 v55, v13;
	v26 =	vadd.f32 v28, v26  }
0x1f1: {  	v17 =	vadd.s32 s5, v17;
	v25 =	vadd.s32 v46, v44;
	v12 =	vld.idx.msk [tilespmem:v19+s2+$0x0], $0xffff  }
0x1f2: {  	v17 =	vadd.s32 v42, v17;
	v10 =	vadd.f32 v14, v10;
	v14 =	vld.idx.msk [tilespmem:v23+s2+$0x0], $0xffff;
	v26 =	vadd.f32 v29, v26  }
0x1f3: {  	v19 =	vadd.s32 v55, v49;
	v59 =	vld.idx.msk [tilespmem:v21+s2+$0x0], $0xffff  }
0x1f4: {  	v54 =	vadd.s32 s0, v11;
	v15 =	vld.idx.msk [tilespmem:v15+s2+$0x0], $0xffff;
	v24 =	vadd.f32 v43, v26  }
0x1f5: {  	v23 =	vadd.s32 v56, v54;
	v10 =	vadd.f32 v20, v10;
	v13 =	vld.idx.msk [tilespmem:v13+s2+$0x0], $0xffff  }
0x1f6: {  	v33 =	vadd.s32 s0, v9;
	v32 =	vld.idx.msk [tilespmem:v25+s2+$0x0], $0xffff;
	v12 =	vadd.f32 v12, v24  }
0x1f7: {  	v35 =	vadd.s32 v57, v33;
	v37 =	vadd.s32 s5, v11;
	v10 =	vadd.f32 v16, v10;
	v16 =	vld.idx.msk [tilespmem:v17+s2+$0x0], $0xffff  }
0x1f8: {  	v11 =	vadd.s32 v56, v37;
	v17 =	vld.idx.msk [tilespmem:v19+s2+$0x0], $0xffff;
	v40 =	vadd.s32 s0, v7;
	v12 =	vadd.f32 v14, v12  }
0x1f9: {  	v10 =	vadd.f32 v18, v10;
	v30 =	vld [tilespmem:$0x1FFB0];
	v43 =	vadd.s32 s5, v9;
	v14 =	vadd.s32 v58, v40  }
0x1fa: {  	v49 =	vadd.s32 s0, v5;
	v44 =	vld.idx.msk [tilespmem:v23+s2+$0x0], $0xffff;
	v9 =	vadd.s32 v57, v43;
	v12 =	vadd.f32 v59, v12  }
0x1fb: {  	v54 =	vadd.s32 s5, v7;
	v19 =	vadd.s32 v61, v49;
	v10 =	vadd.f32 v32, v10;
	v26 =	vld [tilespmem:$0x1FD20]  }
0x1fc: {  	v25 =	vadd.s32 s5, v5;
	v7 =	vadd.s32 v58, v54;
	v59 =	vld.idx.msk [tilespmem:v35+s2+$0x0], $0xffff;
	v12 =	vadd.f32 v16, v12  }
0x1fd: {  	v11 =	vld.idx.msk [tilespmem:v11+s2+$0x0], $0xffff;
	v5 =	vadd.s32 v61, v25;
	v10 =	vadd.f32 v17, v10;
	v24 =	vadd.s32 s0, v3  }
0x1fe: {  	v27 =	vadd.s32 s5, v3;
	v16 =	vadd.s32 v30, v24;
	v14 =	vld.idx.msk [tilespmem:v14+s2+$0x0], $0xffff;
	v12 =	vadd.f32 v15, v12  }
0x1ff: {  	v17 =	vadd.s32 s0, v1;
	v10 =	vadd.f32 v44, v10;
	v3 =	vadd.s32 v30, v27;
	v9 =	vld.idx.msk [tilespmem:v9+s2+$0x0], $0xffff  }
0x200: {  	v33 =	vadd.s32 s5, v1;
	v32 =	vld.idx.msk [tilespmem:v19+s2+$0x0], $0xffff;
	v15 =	vadd.s32 v26, v17;
	v12 =	vadd.f32 v13, v12  }
0x201: {  	v7 =	vld.idx.msk [tilespmem:v7+s2+$0x0], $0xffff;
	v1 =	vadd.s32 v26, v33;
	v17 =	vadd.s32 s0, v62;
	v10 =	vadd.f32 v59, v10  }
0x202: {  	v5 =	vld.idx.msk [tilespmem:v5+s2+$0x0], $0xffff;
	v13 =	vadd.s32 v41, v17;
	v17 =	vadd.s32 s0, v60;
	v11 =	vadd.f32 v11, v12  }
0x203: {  	v16 =	vld.idx.msk [tilespmem:v16+s2+$0x0], $0xffff;
	v10 =	vadd.f32 v14, v10;
	v12 =	vadd.s32 v41, v17;
	v14 =	vadd.s32 s5, v62  }
0x204: {  	v35 =	vadd.s32 s5, v60;
	v3 =	vld.idx.msk [tilespmem:v3+s2+$0x0], $0xffff;
	v14 =	vadd.s32 v41, v14;
	v9 =	vadd.f32 v9, v11  }
0x205: {  	v4 =	vadd.f32 v4, v8;
	v37 =	vadd.s32 v41, v35;
	v15 =	vld.idx.msk [tilespmem:v15+s2+$0x0], $0xffff  }
0x206: {  	v1 =	vld.idx.msk [tilespmem:v1+s2+$0x0], $0xffff;
	v10 =	vadd.f32 v32, v10;
	v7 =	vadd.f32 v7, v9  }
0x207: {  	v4 =	vadd.f32 v6, v4;
	v40 =	vld.idx.msk [tilespmem:v13+s31+$0x0], $0xffff  }
0x208: {  	v43 =	vadd.f32 v16, v10;
	v44 =	vld.idx.msk [tilespmem:v12+s1+$0x0], $0xffff;
	v5 =	vadd.f32 v5, v7  }
0x209: {  	v49 =	vld.idx.msk [tilespmem:v14+s31+$0x0], $0xffff  }
0x20a: {  	v4 =	vmul.f32 v4, v0;
	v54 =	vld.idx.msk [tilespmem:v37+s1+$0x0], $0xffff;
	v6 =	vadd.f32 v15, v43;
	v3 =	vadd.f32 v3, v5  }
0x20b: {  	v59 =	vmul.f32 v22, v0  }
0x20c: {  	v4 =	vadd.f32 v4, v63;
	v6 =	vmul.f32 v6, v40;
	v1 =	vadd.f32 v1, v3  }
0x20d: {  	v0 =	vadd.f32 v59, v2;
	v60 =	vmul.f32 v44, v40  }
0x20e: {  	s26 =	sadd.s32 $0x1, s26;
	v62 =	vadd.f32 v6, v4;
	v1 =	vmul.f32 v1, v49  }
0x20f: {  	p0 =	sne.s32 s26, $0x10;
	v63 =	vmul.f32 v54, v49;
	v0 =	vadd.f32 v60, v0  }
.Ltmp2:
0x210: {  	v1 =	vadd.f32 v1, v62;
	(pc) =	sbr.rel @p0 .LBB2_2-.Ltmp2, $4  }
0x211: {  	v0 =	vadd.f32 v63, v0  }
0x212: {  	v1 =	vsub.f32 $0.0e+00, v1  }
0x213: {  	[tilespmem:s29+$0x1B800] =	vst v0  }
0x214: {  	v32 =	vmov v42;
	v15 =	vld [tilespmem:$0x1FFA0];
	[tilespmem:s29+$0x1BA00] =	vst v1  }
0x215: {  	s0 =	simm.s32 $0x1B800  }
0x216: {  	[hbm4b:s11+s14] =	stream.strided.scatter [tilespmem:s0], [sflag:$0x2], $0x200, s15, s14, $0x38;
	[tilespmem:$0x1BC00] =	vst v63  }
0x217: {  	s30 =	sadd.s32 $0x1, s30;
	_ =	swait.ge [sflag:s16], $0x200  }
0x218: {  	p0 =	sne.s32 s30, s13;
	[sflag:s16] =	ssyncset.done $0x0  }
.Ltmp3:
0x219: {  	s29 =	simm.s32 $0x1BA00;
	[sflag:s16] =	ssyncadd.s32 $0xFFFFFE00;
	(pc) =	sbr.rel @p0 .LBB2_1-.Ltmp3, $4  }
0x21a: {  	[hbm4b:s12+s14] =	stream.strided.scatter [tilespmem:s29], [sflag:$0x2], $0x200, s15, s14, $0x38;
	[tilespmem:$0x1BC00] =	vst v63  }
0x21b: {  	_ =	swait.ge [sflag:s16], $0x200  }
0x21c: {  	[sflag:s16] =	ssyncset.done $0x0  }
0x21d: {  	[sflag:s16] =	ssyncadd.s32 $0xFFFFFE00  }
0x21e: {  	_ =	sfence.sel $0x180000  }
0x21f: {  	[bflag:$0x0] =	sbarrier.arrive $0xFFFF  }
0x220: {  	_ =	strace $0x90000047  }
0x221: {  	s0 =	stileid.u32;
	[bflag:$0x2] =	sbarrier.arrive $0xFFFF  }
0x222: {  	p0 =	sne.s32 s0, $0x0;
	s0 =	rddreg [dreg:$0x1]  }
0x223: {  	s0 =	sadd.s32 @!p0 $0x100000, s0  }
0x224: {  	[sflag:s0] =	ssyncadd.tile.s32 @!p0 $0x1;
	_ =	shalt  }
.Lfunc_end2:
_tile_overlayer_lowered:
.L_overlay_start_2:
0x225: {  	(tag) =	ssettag $0x2  }
0x226: {  	s0 =	rddreg [dreg:$0x0];
	s2 =	stileid.u32  }
0x227: {  	s1 =	rddreg [dreg:$0x1];
	p0 =	sne.s32 s2, $0x0  }
0x228: {  	s3 =	rddreg [dreg:$0x2];
	[bflag:$0x3] =	sbarrier.arrive $0xFFFF;
	s2 =	simm.s32 @!p0 $0x1C02  }
0x229: {  	[timem:s3], [sflag:s2] =	dma.local @!p0 [hbm:s0], s1  }
0x22a: {  	s0 =	simm.s32 @!p0 $0x2  }
0x22b: {  	_ =	swait.ge @!p0 [sflag:s0], s1  }
0x22c: {  	s1 =	ssub.s32 @!p0 $0x0, s1;
	[sflag:s0] =	ssyncset.done @!p0 $0x0  }
0x22d: {  	[sflag:s0] =	ssyncadd.s32 @!p0 s1  }
0x22e: {  	[bflag:$0x3] =	sbarrier.arrive $0xFFFF  }
0x22f: {  	_ =	shalt  }

</sc_bundles>
